<compile_context>
chip_gen: v7x
topology: tpu7x:2x2x1
jax: 0.10.2.dev20260603
libtpu: 0.0.44.dev20260713+nightly
codegen_flags: <defaults>
</compile_context>

<pallas_src>
import jax
import jax.numpy as jnp
from jax import lax
from jax.experimental import pallas as pl
from jax.experimental.pallas import tpu as pltpu
from jax.experimental.pallas import tpu_sc as plsc

N = 10000
E = 320000
F = 128
K = 64

NC = 2
NS = 16
NW = NC * NS
EPW = E // NW
B = 80
CHUNKS = EPW // B
NP = 10240
RPT = NP // NS
BE = 8000
NB = 2000


def _dot_t(a, w):
    return lax.dot_general(a, w, (((1,), (1,)), ((), ())),
                           preferred_element_type=jnp.float32)



def _g_body(rbf_ref, wk_ref, x_ref, wi_ref, bi_ref, wj_ref, bj_ref,
            g_ref, xi_ref, hj_ref):
    g_ref[...] = _dot_t(rbf_ref[...], wk_ref[...])

    @pl.when(pl.program_id(0) == 0)
    def _():
        xv = x_ref[...]
        xi_ref[...] = _dot_t(xv, wi_ref[...]) + bi_ref[...]
        hj_ref[:N, :] = _dot_t(xv, wj_ref[...]) + bj_ref[...]
        hj_ref[N:, :] = jnp.zeros((NP - N, F), jnp.float32)


def _dense_in(rbf, Wk, x, Wi, bi, Wj, bj):
    cst = lambda i: (0, 0)
    return pl.pallas_call(
        _g_body,
        grid=(E // BE,),
        in_specs=[
            pl.BlockSpec((BE, K), lambda i: (i, 0)),
            pl.BlockSpec((F, K), cst),
            pl.BlockSpec((N, F), cst),
            pl.BlockSpec((F, F), cst),
            pl.BlockSpec((1, F), cst),
            pl.BlockSpec((F, F), cst),
            pl.BlockSpec((1, F), cst),
        ],
        out_specs=(
            pl.BlockSpec((BE, F), lambda i: (i, 0)),
            pl.BlockSpec((N, F), cst),
            pl.BlockSpec((NP, F), cst),
        ),
        out_shape=(
            jax.ShapeDtypeStruct((E, F), jnp.float32),
            jax.ShapeDtypeStruct((N, F), jnp.float32),
            jax.ShapeDtypeStruct((NP, F), jnp.float32),
        ),
    )(rbf, Wk, x, Wi, bi.reshape(1, F), Wj, bj.reshape(1, F))



def _sc_body(g_hbm, hj_hbm, idxi_hbm, idxj_hbm, z_hbm, out_hbm,
             ii0, ii1, ii2, ii3, ij0, ij1, ij2, ij3,
             g0, g1, r0, r1, acc,
             isem0, isem1, isem2, isem3,
             lsem0, lsem1, gsem0, gsem1, ssem0, ssem1):
    c = lax.axis_index("c")
    s = lax.axis_index("s")
    wid = s * NC + c
    ebase = wid * EPW
    nslice = pl.ds(s * RPT, RPT)
    iibufs = (ii0, ii1, ii2, ii3)
    ijbufs = (ij0, ij1, ij2, ij3)
    gbufs = (g0, g1)
    rbufs = (r0, r1)
    isems = (isem0, isem1, isem2, isem3)
    lsems = (lsem0, lsem1)
    gsems = (gsem0, gsem1)
    ssems = (ssem0, ssem1)

    pltpu.sync_copy(z_hbm.at[nslice], acc.at[nslice])
    plsc.subcore_barrier()

    def start_idx(k, q):
        off = pl.ds(ebase + k * B, B)
        pltpu.async_copy(idxj_hbm.at[off], ijbufs[q], isems[q])
        pltpu.async_copy(idxi_hbm.at[off], iibufs[q], isems[q])

    def wait_idx(q):
        pltpu.make_async_copy(idxj_hbm.at[pl.ds(0, B)], ijbufs[q],
                              isems[q]).wait()
        pltpu.make_async_copy(idxi_hbm.at[pl.ds(0, B)], iibufs[q],
                              isems[q]).wait()

    def start_inputs(k, d, q):
        pltpu.async_copy(hj_hbm.at[ijbufs[q]], rbufs[d], gsems[d])
        pltpu.async_copy(g_hbm.at[pl.ds(ebase + k * B, B)], gbufs[d], lsems[d])

    def wait_inputs(k, d, q):
        pltpu.make_async_copy(hj_hbm.at[ijbufs[q]], rbufs[d],
                              gsems[d]).wait()
        pltpu.make_async_copy(g_hbm.at[pl.ds(ebase + k * B, B)], gbufs[d],
                              lsems[d]).wait()

    def start_scatter(d, q):
        pltpu.async_copy(rbufs[d], acc.at[iibufs[q]], ssems[d], add=True)

    def wait_scatter(d, q):
        pltpu.make_async_copy(rbufs[d], acc.at[iibufs[q]],
                              ssems[d]).wait()

    start_idx(0, 0)
    start_idx(1, 1)
    wait_idx(0)
    start_inputs(0, 0, 0)

    def step(t, carry):
        kk = t * 4
        for b in range(4):
            k = kk + b
            d = b % 2

            @pl.when(k < CHUNKS)
            def _():
                wait_inputs(k, d, b)
                @pl.when(k + 2 < CHUNKS)
                def _():
                    start_idx(k + 2, (b + 2) % 4)

                @pl.when(k >= 1)
                def _():
                    wait_scatter(1 - d, (b + 3) % 4)

                @pl.when(k + 1 < CHUNKS)
                def _():
                    wait_idx((b + 1) % 4)
                    start_inputs(k + 1, 1 - d, (b + 1) % 4)

                @plsc.parallel_loop(0, B, 1, unroll=4)
                def _(i):
                    for cc in range(F // 16):
                        sli = pl.ds(cc * 16, 16)
                        rbufs[d][i, sli] = rbufs[d][i, sli] * gbufs[d][i, sli]

                start_scatter(d, b)

        return carry

    lax.fori_loop(0, (CHUNKS + 3) // 4, step, 0)
    wait_scatter((CHUNKS - 1) % 2, (CHUNKS - 1) % 4)
    plsc.subcore_barrier()
    pltpu.sync_copy(acc.at[nslice], out_hbm.at[c, nslice])


def _sc_gather_scatter(g, hj, idx_i, idx_j, zeros_nf):
    mesh = plsc.VectorSubcoreMesh(core_axis_name="c", subcore_axis_name="s")
    f = pl.kernel(
        _sc_body,
        out_type=jax.ShapeDtypeStruct((NC, NP, F), jnp.float32),
        mesh=mesh,
        scratch_types=(
            [pltpu.VMEM((B,), jnp.int32)] * 8
            + [pltpu.VMEM((B, F), jnp.float32)] * 4
            + [pltpu.VMEM_SHARED((NP, F), jnp.float32)]
            + [pltpu.SemaphoreType.DMA] * 10
        ),
    )
    return f(g, hj, idx_i, idx_j, zeros_nf)



def _fin_body(x_ref, xi_ref, p_ref, w01, b01, w02, b02,
              w11, b11, w12, b12, wd, bd_, u_, out_ref):
    m = xi_ref[...] + p_ref[0] + p_ref[1]
    t = _dot_t(m, w01[...]) + b01[...]
    m = m + _dot_t(t, w02[...]) + b02[...]
    t = _dot_t(m, w11[...]) + b11[...]
    m = m + _dot_t(t, w12[...]) + b12[...]
    out_ref[...] = u_[...] * x_ref[...] + _dot_t(m, wd[...]) + bd_[...]


def _final(x, xi, p0, r0_W1, r0_b1, r0_W2, r0_b2,
           r1_W1, r1_b1, r1_W2, r1_b2, Wd, bd, u):
    cst = lambda i: (0, 0)
    blk = lambda i: (i, 0)
    wspec = pl.BlockSpec((F, F), cst)
    bspec = pl.BlockSpec((1, F), cst)
    return pl.pallas_call(
        _fin_body,
        grid=(N // NB,),
        in_specs=[
            pl.BlockSpec((NB, F), blk),
            pl.BlockSpec((NB, F), blk),
            pl.BlockSpec((2, NB, F), lambda i: (0, i, 0)),
            wspec, bspec, wspec, bspec,
            wspec, bspec, wspec, bspec,
            wspec, bspec, bspec,
        ],
        out_specs=pl.BlockSpec((NB, F), blk),
        out_shape=jax.ShapeDtypeStruct((N, F), jnp.float32),
    )(x, xi, p0, r0_W1, r0_b1.reshape(1, F), r0_W2, r0_b2.reshape(1, F),
      r1_W1, r1_b1.reshape(1, F), r1_W2, r1_b2.reshape(1, F),
      Wd, bd.reshape(1, F), u.reshape(1, F))


def kernel(x, rbf, idx_i, idx_j, Wk, Wi, bi, Wj, bj,
           r0_W1, r0_b1, r0_W2, r0_b2, r1_W1, r1_b1, r1_W2, r1_b2,
           Wd, bd, u):
    g, xi, hj = _dense_in(rbf, Wk, x, Wi, bi, Wj, bj)
    zeros_nf = jnp.zeros((NP, F), dtype=jnp.float32)
    p0 = _sc_gather_scatter(g, hj, idx_i, idx_j, zeros_nf)
    return _final(x, xi, p0, r0_W1, r0_b1, r0_W2, r0_b2,
                  r1_W1, r1_b1, r1_W2, r1_b2, Wd, bd, u)

# --- scband reference (transcript-rebuilt; emitter-appended) ---
"""Pipeline reference for scband-phys-net-interaction-layer-53223234732350 (READ-ONLY COPY).

The authoritative reference and input builder live on the scoring server;
editing this copy changes nothing except your own understanding.
"""

import jax, jax.numpy as jnp
import numpy as np

N = 10000
E = 320000
F = 128
K = 64
SCALE = 0.05


def setup_inputs(seed: int = 0) -> dict:
    key = jax.random.key(seed)
    ks = jax.random.split(key, 24)
    inp = {}
    inp['x'] = jax.random.normal(ks[0], (N, F), dtype=jnp.float32)
    inp['rbf'] = jax.random.uniform(ks[1], (E, K), dtype=jnp.float32)
    inp['idx_i'] = jax.random.randint(ks[2], (E,), 0, N, dtype=jnp.int32)
    inp['idx_j'] = jax.random.randint(ks[3], (E,), 0, N, dtype=jnp.int32)
    # parameters (Linear weight shape [out, in], applied as y = a @ W.T + b)
    inp['Wk'] = jax.random.normal(ks[4], (F, K), dtype=jnp.float32) * SCALE
    inp['Wi'] = jax.random.normal(ks[5], (F, F), dtype=jnp.float32) * SCALE
    inp['bi'] = jnp.zeros((F,), dtype=jnp.float32)
    inp['Wj'] = jax.random.normal(ks[6], (F, F), dtype=jnp.float32) * SCALE
    inp['bj'] = jnp.zeros((F,), dtype=jnp.float32)
    inp['r0_W1'] = jax.random.normal(ks[7], (F, F), dtype=jnp.float32) * SCALE
    inp['r0_b1'] = jnp.zeros((F,), dtype=jnp.float32)
    inp['r0_W2'] = jax.random.normal(ks[8], (F, F), dtype=jnp.float32) * SCALE
    inp['r0_b2'] = jnp.zeros((F,), dtype=jnp.float32)
    inp['r1_W1'] = jax.random.normal(ks[9], (F, F), dtype=jnp.float32) * SCALE
    inp['r1_b1'] = jnp.zeros((F,), dtype=jnp.float32)
    inp['r1_W2'] = jax.random.normal(ks[10], (F, F), dtype=jnp.float32) * SCALE
    inp['r1_b2'] = jnp.zeros((F,), dtype=jnp.float32)
    inp['Wd'] = jax.random.normal(ks[11], (F, F), dtype=jnp.float32) * SCALE
    inp['bd'] = jnp.zeros((F,), dtype=jnp.float32)
    inp['u'] = jax.random.uniform(ks[12], (F,), dtype=jnp.float32)
    return inp


def reference(x, rbf, idx_i, idx_j, Wk, Wi, bi, Wj, bj,
              r0_W1, r0_b1, r0_W2, r0_b2, r1_W1, r1_b1, r1_W2, r1_b2,
              Wd, bd, u):
    # activation_fn=None, dropout is identity at inference (drop_prob=0.0)
    xa = x
    g = rbf @ Wk.T                       # [E, F]  k2f (no bias)
    xi = xa @ Wi.T + bi                  # [N, F]  dense_i
    hj = xa @ Wj.T + bj                  # [N, F]  dense_j
    msgs = g * jnp.take(hj, idx_j, axis=0)   # gather over source nodes [E, F]
    xj = jax.ops.segment_sum(msgs, idx_i, num_segments=N)  # scatter-add [N, F]
    m = xi + xj
    # residual blocks (activation_fn=None -> y = m)
    m = m + ((m @ r0_W1.T + r0_b1) @ r0_W2.T + r0_b2)
    m = m + ((m @ r1_W1.T + r1_b1) @ r1_W2.T + r1_b2)
    out = u * x + (m @ Wd.T + bd)
    return out

if __name__ == "__main__":
    import jax
    _d = setup_inputs()
    print(jax.jit(kernel)(*tuple(_d.values())))

</pallas_src>

<mosaic_0001>
#map = affine_map<(d0, d1) -> (0, 0)>
#map1 = affine_map<(d0, d1) -> (0)>
#map2 = affine_map<(d0, d1) -> (0, 0, 0)>
module attributes {stable_mosaic.version = 14 : i64} {
  func.func @_sc_body(%arg0: i32, %arg1: i32, %arg2: memref<320000x128xf32, #tpu.memory_space<hbm>>, %arg3: memref<10240x128xf32, #tpu.memory_space<hbm>>, %arg4: memref<320000xi32, #tpu.memory_space<hbm>>, %arg5: memref<320000xi32, #tpu.memory_space<hbm>>, %arg6: memref<10240x128xf32, #tpu.memory_space<hbm>>, %arg7: memref<2x10240x128xf32, #tpu.memory_space<hbm>>, %arg8: memref<80xi32, #tpu.memory_space<vmem>>, %arg9: memref<80xi32, #tpu.memory_space<vmem>>, %arg10: memref<80xi32, #tpu.memory_space<vmem>>, %arg11: memref<80xi32, #tpu.memory_space<vmem>>, %arg12: memref<80xi32, #tpu.memory_space<vmem>>, %arg13: memref<80xi32, #tpu.memory_space<vmem>>, %arg14: memref<80xi32, #tpu.memory_space<vmem>>, %arg15: memref<80xi32, #tpu.memory_space<vmem>>, %arg16: memref<80x128xf32, #tpu.memory_space<vmem>>, %arg17: memref<80x128xf32, #tpu.memory_space<vmem>>, %arg18: memref<80x128xf32, #tpu.memory_space<vmem>>, %arg19: memref<80x128xf32, #tpu.memory_space<vmem>>, %arg20: memref<10240x128xf32, #tpu.memory_space<vmem_shared>>, %arg21: memref<!tpu.dma_semaphore, #tpu.memory_space<semaphore_mem>>, %arg22: memref<!tpu.dma_semaphore, #tpu.memory_space<semaphore_mem>>, %arg23: memref<!tpu.dma_semaphore, #tpu.memory_space<semaphore_mem>>, %arg24: memref<!tpu.dma_semaphore, #tpu.memory_space<semaphore_mem>>, %arg25: memref<!tpu.dma_semaphore, #tpu.memory_space<semaphore_mem>>, %arg26: memref<!tpu.dma_semaphore, #tpu.memory_space<semaphore_mem>>, %arg27: memref<!tpu.dma_semaphore, #tpu.memory_space<semaphore_mem>>, %arg28: memref<!tpu.dma_semaphore, #tpu.memory_space<semaphore_mem>>, %arg29: memref<!tpu.dma_semaphore, #tpu.memory_space<semaphore_mem>>, %arg30: memref<!tpu.dma_semaphore, #tpu.memory_space<semaphore_mem>>) attributes {dimension_semantics = [#tpu.dimension_semantics<core_parallel>, #tpu.dimension_semantics<subcore_parallel>], iteration_bounds = array<i64: 2, 16>, scalar_prefetch = 0 : i64, scratch_operands = 23 : i64, tpu.core_type = #tpu.core_type<sc_vector_subcore>, window_params = [{transform_indices = #map}, {transform_indices = #map}, {transform_indices = #map1}, {transform_indices = #map1}, {transform_indices = #map}, {transform_indices = #map2}]} {
    %mul3A = arith.constant 2 : i32
    %mul3A_0 = arith.muli %arg1, %mul3A : i32
    %add3A = arith.addi %mul3A_0, %arg0 : i32
    %mul3A_1 = arith.constant 10000 : i32
    %mul3A_2 = arith.muli %add3A, %mul3A_1 : i32
    %mul3A_3 = arith.constant 640 : i32
    %mul3A_4 = arith.muli %arg1, %mul3A_3 : i32
    "tpu.region"() ({
      %run_scoped3A = tpu.sem_alloc : memref<!tpu.dma_semaphore, #tpu.memory_space<semaphore_mem>>
      %dma_start3A_41 = arith.constant 0 : i32
      %dma_start3A_42 = tpu.memref_slice %arg20[%mul3A_4, %dma_start3A_41] : memref<10240x128xf32, #tpu.memory_space<vmem_shared>> -> memref<640x128xf32, #tpu.memory_space<vmem_shared>>
      %dma_start3A_43 = arith.constant 0 : i32
      %dma_start3A_44 = tpu.memref_slice %arg6[%mul3A_4, %dma_start3A_43] : memref<10240x128xf32, #tpu.memory_space<hbm>> -> memref<640x128xf32, #tpu.memory_space<hbm>>
      tpu.enqueue_dma source(%dma_start3A_44 : memref<640x128xf32, #tpu.memory_space<hbm>>) target(%dma_start3A_42 : memref<640x128xf32, #tpu.memory_space<vmem_shared>>) target_semaphore(%run_scoped3A : memref<!tpu.dma_semaphore, #tpu.memory_space<semaphore_mem>>)
      %dma_wait3A_45 = arith.constant 0 : i32
      %dma_wait3A_46 = tpu.memref_slice %arg20[%mul3A_4, %dma_wait3A_45] : memref<10240x128xf32, #tpu.memory_space<vmem_shared>> -> memref<640x128xf32, #tpu.memory_space<vmem_shared>>
      %dma_wait3A_47 = arith.constant 0 : i32
      %dma_wait3A_48 = tpu.memref_slice %arg6[%mul3A_4, %dma_wait3A_47] : memref<10240x128xf32, #tpu.memory_space<hbm>> -> memref<640x128xf32, #tpu.memory_space<hbm>>
      tpu.wait_dma2 semaphore(%run_scoped3A : memref<!tpu.dma_semaphore, #tpu.memory_space<semaphore_mem>>) src(%dma_wait3A_48 : memref<640x128xf32, #tpu.memory_space<hbm>>) dst(%dma_wait3A_46 : memref<640x128xf32, #tpu.memory_space<vmem_shared>>)
      tpu.yield
    }) : () -> ()
    %barrier3A = arith.constant 0 : index
    tpu.barrier barrier_id(%barrier3A)
    %add3A_5 = arith.constant 0 : i32
    %add3A_6 = arith.addi %mul3A_2, %add3A_5 : i32
    %dma_start3A = tpu.memref_slice %arg5[%add3A_6] : memref<320000xi32, #tpu.memory_space<hbm>> -> memref<80xi32, #tpu.memory_space<hbm>>
    %dma_start3A_7 = tpu.memref_slice %arg5[%add3A_6] : memref<320000xi32, #tpu.memory_space<hbm>> -> memref<80xi32, #tpu.memory_space<hbm>>
    tpu.enqueue_dma source(%dma_start3A_7 : memref<80xi32, #tpu.memory_space<hbm>>) target(%arg12 : memref<80xi32, #tpu.memory_space<vmem>>) target_semaphore(%arg21 : memref<!tpu.dma_semaphore, #tpu.memory_space<semaphore_mem>>)
    %dma_start3A_8 = tpu.memref_slice %arg4[%add3A_6] : memref<320000xi32, #tpu.memory_space<hbm>> -> memref<80xi32, #tpu.memory_space<hbm>>
    %dma_start3A_9 = tpu.memref_slice %arg4[%add3A_6] : memref<320000xi32, #tpu.memory_space<hbm>> -> memref<80xi32, #tpu.memory_space<hbm>>
    tpu.enqueue_dma source(%dma_start3A_9 : memref<80xi32, #tpu.memory_space<hbm>>) target(%arg8 : memref<80xi32, #tpu.memory_space<vmem>>) target_semaphore(%arg21 : memref<!tpu.dma_semaphore, #tpu.memory_space<semaphore_mem>>)
    %add3A_10 = arith.constant 80 : i32
    %add3A_11 = arith.addi %mul3A_2, %add3A_10 : i32
    %dma_start3A_12 = tpu.memref_slice %arg5[%add3A_11] : memref<320000xi32, #tpu.memory_space<hbm>> -> memref<80xi32, #tpu.memory_space<hbm>>
    %dma_start3A_13 = tpu.memref_slice %arg5[%add3A_11] : memref<320000xi32, #tpu.memory_space<hbm>> -> memref<80xi32, #tpu.memory_space<hbm>>
    tpu.enqueue_dma source(%dma_start3A_13 : memref<80xi32, #tpu.memory_space<hbm>>) target(%arg13 : memref<80xi32, #tpu.memory_space<vmem>>) target_semaphore(%arg22 : memref<!tpu.dma_semaphore, #tpu.memory_space<semaphore_mem>>)
    %dma_start3A_14 = tpu.memref_slice %arg4[%add3A_11] : memref<320000xi32, #tpu.memory_space<hbm>> -> memref<80xi32, #tpu.memory_space<hbm>>
    %dma_start3A_15 = tpu.memref_slice %arg4[%add3A_11] : memref<320000xi32, #tpu.memory_space<hbm>> -> memref<80xi32, #tpu.memory_space<hbm>>
    tpu.enqueue_dma source(%dma_start3A_15 : memref<80xi32, #tpu.memory_space<hbm>>) target(%arg9 : memref<80xi32, #tpu.memory_space<vmem>>) target_semaphore(%arg22 : memref<!tpu.dma_semaphore, #tpu.memory_space<semaphore_mem>>)
    %dma_wait3A = arith.constant 0 : i32
    %dma_wait3A_16 = tpu.memref_slice %arg5[%dma_wait3A] : memref<320000xi32, #tpu.memory_space<hbm>> -> memref<80xi32, #tpu.memory_space<hbm>>
    %dma_wait3A_17 = arith.constant 0 : i32
    %dma_wait3A_18 = tpu.memref_slice %arg5[%dma_wait3A_17] : memref<320000xi32, #tpu.memory_space<hbm>> -> memref<80xi32, #tpu.memory_space<hbm>>
    tpu.wait_dma2 semaphore(%arg21 : memref<!tpu.dma_semaphore, #tpu.memory_space<semaphore_mem>>) src(%dma_wait3A_18 : memref<80xi32, #tpu.memory_space<hbm>>) dst(%arg12 : memref<80xi32, #tpu.memory_space<vmem>>)
    %dma_wait3A_19 = arith.constant 0 : i32
    %dma_wait3A_20 = tpu.memref_slice %arg4[%dma_wait3A_19] : memref<320000xi32, #tpu.memory_space<hbm>> -> memref<80xi32, #tpu.memory_space<hbm>>
    %dma_wait3A_21 = arith.constant 0 : i32
    %dma_wait3A_22 = tpu.memref_slice %arg4[%dma_wait3A_21] : memref<320000xi32, #tpu.memory_space<hbm>> -> memref<80xi32, #tpu.memory_space<hbm>>
    tpu.wait_dma2 semaphore(%arg21 : memref<!tpu.dma_semaphore, #tpu.memory_space<semaphore_mem>>) src(%dma_wait3A_22 : memref<80xi32, #tpu.memory_space<hbm>>) dst(%arg8 : memref<80xi32, #tpu.memory_space<vmem>>)
    %dma_start3A_23 = arith.constant 0 : i32
    %dma_start3A_24 = arith.constant 0 : i32
    %dma_start3A_25 = tpu.memref_slice %arg3[%dma_start3A_23, %dma_start3A_24] : memref<10240x128xf32, #tpu.memory_space<hbm>> -> memref<10240x128xf32, #tpu.memory_space<hbm>>
    tpu.enqueue_indirect_dma source(%dma_start3A_25 : memref<10240x128xf32, #tpu.memory_space<hbm>>) target(%arg18 : memref<80x128xf32, #tpu.memory_space<vmem>>) offsets(%arg12 : memref<80xi32, #tpu.memory_space<vmem>>) semaphore(%arg27 : memref<!tpu.dma_semaphore, #tpu.memory_space<semaphore_mem>>)
    %add3A_26 = arith.constant 0 : i32
    %add3A_27 = arith.addi %mul3A_2, %add3A_26 : i32
    %dma_start3A_28 = arith.constant 0 : i32
    %dma_start3A_29 = tpu.memref_slice %arg2[%add3A_27, %dma_start3A_28] : memref<320000x128xf32, #tpu.memory_space<hbm>> -> memref<80x128xf32, #tpu.memory_space<hbm>>
    %dma_start3A_30 = arith.constant 0 : i32
    %dma_start3A_31 = tpu.memref_slice %arg2[%add3A_27, %dma_start3A_30] : memref<320000x128xf32, #tpu.memory_space<hbm>> -> memref<80x128xf32, #tpu.memory_space<hbm>>
    tpu.enqueue_dma source(%dma_start3A_31 : memref<80x128xf32, #tpu.memory_space<hbm>>) target(%arg16 : memref<80x128xf32, #tpu.memory_space<vmem>>) target_semaphore(%arg25 : memref<!tpu.dma_semaphore, #tpu.memory_space<semaphore_mem>>)
    %scan3A = arith.constant 0 : i32
    %scan3A_32 = arith.constant 0 : i32
    %scan3A_33 = arith.constant 32 : i32
    %scan3A_34 = arith.addi %scan3A_32, %scan3A_33 : i32
    %scan3A_35 = arith.constant 1 : i32
    scf.for %scan3A_41 = %scan3A_32 to %scan3A_34 step %scan3A_35  : i32 {
      %mul3A_42 = arith.constant 4 : i32
      %mul3A_43 = arith.muli %scan3A_41, %mul3A_42 : i32
      %add3A_44 = arith.constant 0 : i32
      %add3A_45 = arith.addi %mul3A_43, %add3A_44 : i32
      %lt3A = arith.constant 125 : i32
      %lt3A_46 = arith.cmpi slt, %add3A_45, %lt3A : i32
      %convert_element_type3A = arith.extui %lt3A_46 : i1 to i32
      %cond3A = arith.constant 0 : i32
      %cond3A_47 = arith.cmpi ne, %convert_element_type3A, %cond3A : i32
      scf.if %cond3A_47 {
        %dma_wait3A_69 = arith.constant 0 : i32
        %dma_wait3A_70 = arith.constant 0 : i32
        %dma_wait3A_71 = tpu.memref_slice %arg3[%dma_wait3A_69, %dma_wait3A_70] : memref<10240x128xf32, #tpu.memory_space<hbm>> -> memref<10240x128xf32, #tpu.memory_space<hbm>>
        tpu.wait_indirect_dma semaphore(%arg27 : memref<!tpu.dma_semaphore, #tpu.memory_space<semaphore_mem>>) src(%dma_wait3A_71 : memref<10240x128xf32, #tpu.memory_space<hbm>>) dst(%arg18 : memref<80x128xf32, #tpu.memory_space<vmem>>)
        %mul3A_72 = arith.constant 80 : i32
        %mul3A_73 = arith.muli %add3A_45, %mul3A_72 : i32
        %add3A_74 = arith.addi %mul3A_2, %mul3A_73 : i32
        %dma_wait3A_75 = arith.constant 0 : i32
        %dma_wait3A_76 = tpu.memref_slice %arg2[%add3A_74, %dma_wait3A_75] : memref<320000x128xf32, #tpu.memory_space<hbm>> -> memref<80x128xf32, #tpu.memory_space<hbm>>
        %dma_wait3A_77 = arith.constant 0 : i32
        %dma_wait3A_78 = tpu.memref_slice %arg2[%add3A_74, %dma_wait3A_77] : memref<320000x128xf32, #tpu.memory_space<hbm>> -> memref<80x128xf32, #tpu.memory_space<hbm>>
        tpu.wait_dma2 semaphore(%arg25 : memref<!tpu.dma_semaphore, #tpu.memory_space<semaphore_mem>>) src(%dma_wait3A_78 : memref<80x128xf32, #tpu.memory_space<hbm>>) dst(%arg16 : memref<80x128xf32, #tpu.memory_space<vmem>>)
        %add3A_79 = arith.constant 2 : i32
        %add3A_80 = arith.addi %add3A_45, %add3A_79 : i32
        %lt3A_81 = arith.constant 125 : i32
        %lt3A_82 = arith.cmpi slt, %add3A_80, %lt3A_81 : i32
        %convert_element_type3A_83 = arith.extui %lt3A_82 : i1 to i32
        %cond3A_84 = arith.constant 0 : i32
        %cond3A_85 = arith.cmpi ne, %convert_element_type3A_83, %cond3A_84 : i32
        scf.if %cond3A_85 {
          %add3A_102 = arith.constant 2 : i32
          %add3A_103 = arith.addi %add3A_45, %add3A_102 : i32
          %mul3A_104 = arith.constant 80 : i32
          %mul3A_105 = arith.muli %add3A_103, %mul3A_104 : i32
          %add3A_106 = arith.addi %mul3A_2, %mul3A_105 : i32
          %dma_start3A_107 = tpu.memref_slice %arg5[%add3A_106] : memref<320000xi32, #tpu.memory_space<hbm>> -> memref<80xi32, #tpu.memory_space<hbm>>
          %dma_start3A_108 = tpu.memref_slice %arg5[%add3A_106] : memref<320000xi32, #tpu.memory_space<hbm>> -> memref<80xi32, #tpu.memory_space<hbm>>
          tpu.enqueue_dma source(%dma_start3A_108 : memref<80xi32, #tpu.memory_space<hbm>>) target(%arg14 : memref<80xi32, #tpu.memory_space<vmem>>) target_semaphore(%arg23 : memref<!tpu.dma_semaphore, #tpu.memory_space<semaphore_mem>>)
          %dma_start3A_109 = tpu.memref_slice %arg4[%add3A_106] : memref<320000xi32, #tpu.memory_space<hbm>> -> memref<80xi32, #tpu.memory_space<hbm>>
          %dma_start3A_110 = tpu.memref_slice %arg4[%add3A_106] : memref<320000xi32, #tpu.memory_space<hbm>> -> memref<80xi32, #tpu.memory_space<hbm>>
          tpu.enqueue_dma source(%dma_start3A_110 : memref<80xi32, #tpu.memory_space<hbm>>) target(%arg10 : memref<80xi32, #tpu.memory_space<vmem>>) target_semaphore(%arg23 : memref<!tpu.dma_semaphore, #tpu.memory_space<semaphore_mem>>)
        } else {
        }
        %ge3A = arith.constant 1 : i32
        %ge3A_86 = arith.cmpi sge, %add3A_45, %ge3A : i32
        %convert_element_type3A_87 = arith.extui %ge3A_86 : i1 to i32
        %cond3A_88 = arith.constant 0 : i32
        %cond3A_89 = arith.cmpi ne, %convert_element_type3A_87, %cond3A_88 : i32
        scf.if %cond3A_89 {
          %dma_wait3A_102 = arith.constant 0 : i32
          %dma_wait3A_103 = arith.constant 0 : i32
          %dma_wait3A_104 = tpu.memref_slice %arg20[%dma_wait3A_102, %dma_wait3A_103] : memref<10240x128xf32, #tpu.memory_space<vmem_shared>> -> memref<10240x128xf32, #tpu.memory_space<vmem_shared>>
          tpu.wait_indirect_dma semaphore(%arg30 : memref<!tpu.dma_semaphore, #tpu.memory_space<semaphore_mem>>) src(%arg19 : memref<80x128xf32, #tpu.memory_space<vmem>>) dst(%dma_wait3A_104 : memref<10240x128xf32, #tpu.memory_space<vmem_shared>>)
        } else {
        }
        %add3A_90 = arith.constant 1 : i32
        %add3A_91 = arith.addi %add3A_45, %add3A_90 : i32
        %lt3A_92 = arith.constant 125 : i32
        %lt3A_93 = arith.cmpi slt, %add3A_91, %lt3A_92 : i32
        %convert_element_type3A_94 = arith.extui %lt3A_93 : i1 to i32
        %cond3A_95 = arith.constant 0 : i32
        %cond3A_96 = arith.cmpi ne, %convert_element_type3A_94, %cond3A_95 : i32
        scf.if %cond3A_96 {
          %dma_wait3A_102 = arith.constant 0 : i32
          %dma_wait3A_103 = tpu.memref_slice %arg5[%dma_wait3A_102] : memref<320000xi32, #tpu.memory_space<hbm>> -> memref<80xi32, #tpu.memory_space<hbm>>
          %dma_wait3A_104 = arith.constant 0 : i32
          %dma_wait3A_105 = tpu.memref_slice %arg5[%dma_wait3A_104] : memref<320000xi32, #tpu.memory_space<hbm>> -> memref<80xi32, #tpu.memory_space<hbm>>
          tpu.wait_dma2 semaphore(%arg22 : memref<!tpu.dma_semaphore, #tpu.memory_space<semaphore_mem>>) src(%dma_wait3A_105 : memref<80xi32, #tpu.memory_space<hbm>>) dst(%arg13 : memref<80xi32, #tpu.memory_space<vmem>>)
          %dma_wait3A_106 = arith.constant 0 : i32
          %dma_wait3A_107 = tpu.memref_slice %arg4[%dma_wait3A_106] : memref<320000xi32, #tpu.memory_space<hbm>> -> memref<80xi32, #tpu.memory_space<hbm>>
          %dma_wait3A_108 = arith.constant 0 : i32
          %dma_wait3A_109 = tpu.memref_slice %arg4[%dma_wait3A_108] : memref<320000xi32, #tpu.memory_space<hbm>> -> memref<80xi32, #tpu.memory_space<hbm>>
          tpu.wait_dma2 semaphore(%arg22 : memref<!tpu.dma_semaphore, #tpu.memory_space<semaphore_mem>>) src(%dma_wait3A_109 : memref<80xi32, #tpu.memory_space<hbm>>) dst(%arg9 : memref<80xi32, #tpu.memory_space<vmem>>)
          %add3A_110 = arith.constant 1 : i32
          %add3A_111 = arith.addi %add3A_45, %add3A_110 : i32
          %dma_start3A_112 = arith.constant 0 : i32
          %dma_start3A_113 = arith.constant 0 : i32
          %dma_start3A_114 = tpu.memref_slice %arg3[%dma_start3A_112, %dma_start3A_113] : memref<10240x128xf32, #tpu.memory_space<hbm>> -> memref<10240x128xf32, #tpu.memory_space<hbm>>
          tpu.enqueue_indirect_dma source(%dma_start3A_114 : memref<10240x128xf32, #tpu.memory_space<hbm>>) target(%arg19 : memref<80x128xf32, #tpu.memory_space<vmem>>) offsets(%arg13 : memref<80xi32, #tpu.memory_space<vmem>>) semaphore(%arg28 : memref<!tpu.dma_semaphore, #tpu.memory_space<semaphore_mem>>)
          %mul3A_115 = arith.constant 80 : i32
          %mul3A_116 = arith.muli %add3A_111, %mul3A_115 : i32
          %add3A_117 = arith.addi %mul3A_2, %mul3A_116 : i32
          %dma_start3A_118 = arith.constant 0 : i32
          %dma_start3A_119 = tpu.memref_slice %arg2[%add3A_117, %dma_start3A_118] : memref<320000x128xf32, #tpu.memory_space<hbm>> -> memref<80x128xf32, #tpu.memory_space<hbm>>
          %dma_start3A_120 = arith.constant 0 : i32
          %dma_start3A_121 = tpu.memref_slice %arg2[%add3A_117, %dma_start3A_120] : memref<320000x128xf32, #tpu.memory_space<hbm>> -> memref<80x128xf32, #tpu.memory_space<hbm>>
          tpu.enqueue_dma source(%dma_start3A_121 : memref<80x128xf32, #tpu.memory_space<hbm>>) target(%arg17 : memref<80x128xf32, #tpu.memory_space<vmem>>) target_semaphore(%arg26 : memref<!tpu.dma_semaphore, #tpu.memory_space<semaphore_mem>>)
        } else {
        }
        %parallel_loop3A = arith.constant 0 : i32
        %parallel_loop3A_97 = arith.constant 80 : i32
        %parallel_loop3A_98 = arith.constant 1 : i32
        scf.for %parallel_loop3A_102 = %parallel_loop3A to %parallel_loop3A_97 step %parallel_loop3A_98  : i32 {
          %parallel_loop3A_103 = arith.index_cast %parallel_loop3A_102 : i32 to index
          %parallel_loop3A_104 = arith.constant 0 : index
          %parallel_loop3A_105 = tpu.vector_load %arg18[%parallel_loop3A_103, %parallel_loop3A_104] {strides = array<i32>} : memref<80x128xf32, #tpu.memory_space<vmem>>, vector<1x16xf32>,
          %parallel_loop3A_106 = vector.shape_cast %parallel_loop3A_105 : vector<1x16xf32> to vector<16xf32>
          %parallel_loop3A_107 = arith.index_cast %parallel_loop3A_102 : i32 to index
          %parallel_loop3A_108 = arith.constant 0 : index
          %parallel_loop3A_109 = tpu.vector_load %arg16[%parallel_loop3A_107, %parallel_loop3A_108] {strides = array<i32>} : memref<80x128xf32, #tpu.memory_space<vmem>>, vector<1x16xf32>,
          %parallel_loop3A_110 = vector.shape_cast %parallel_loop3A_109 : vector<1x16xf32> to vector<16xf32>
          %parallel_loop3A_111 = arith.mulf %parallel_loop3A_106, %parallel_loop3A_110 : vector<16xf32>
          %parallel_loop3A_112 = arith.index_cast %parallel_loop3A_102 : i32 to index
          %parallel_loop3A_113 = arith.constant 0 : index
          %parallel_loop3A_114 = tpu.vector_load %arg18[%parallel_loop3A_112, %parallel_loop3A_113] {strides = array<i32>} : memref<80x128xf32, #tpu.memory_space<vmem>>, vector<1x16xf32>,
          %parallel_loop3A_115 = vector.shape_cast %parallel_loop3A_114 : vector<1x16xf32> to vector<16xf32>
          %parallel_loop3A_116 = vector.shape_cast %parallel_loop3A_111 : vector<16xf32> to vector<1x16xf32>
          tpu.vector_store %arg18[%parallel_loop3A_112, %parallel_loop3A_113], %parallel_loop3A_116 {strides = array<i32>} : memref<80x128xf32, #tpu.memory_space<vmem>>, vector<1x16xf32>,
          %parallel_loop3A_117 = arith.index_cast %parallel_loop3A_102 : i32 to index
          %parallel_loop3A_118 = arith.constant 16 : index
          %parallel_loop3A_119 = tpu.vector_load %arg18[%parallel_loop3A_117, %parallel_loop3A_118] {strides = array<i32>} : memref<80x128xf32, #tpu.memory_space<vmem>>, vector<1x16xf32>,
          %parallel_loop3A_120 = vector.shape_cast %parallel_loop3A_119 : vector<1x16xf32> to vector<16xf32>
          %parallel_loop3A_121 = arith.index_cast %parallel_loop3A_102 : i32 to index
          %parallel_loop3A_122 = arith.constant 16 : index
          %parallel_loop3A_123 = tpu.vector_load %arg16[%parallel_loop3A_121, %parallel_loop3A_122] {strides = array<i32>} : memref<80x128xf32, #tpu.memory_space<vmem>>, vector<1x16xf32>,
          %parallel_loop3A_124 = vector.shape_cast %parallel_loop3A_123 : vector<1x16xf32> to vector<16xf32>
          %parallel_loop3A_125 = arith.mulf %parallel_loop3A_120, %parallel_loop3A_124 : vector<16xf32>
          %parallel_loop3A_126 = arith.index_cast %parallel_loop3A_102 : i32 to index
          %parallel_loop3A_127 = arith.constant 16 : index
          %parallel_loop3A_128 = tpu.vector_load %arg18[%parallel_loop3A_126, %parallel_loop3A_127] {strides = array<i32>} : memref<80x128xf32, #tpu.memory_space<vmem>>, vector<1x16xf32>,
          %parallel_loop3A_129 = vector.shape_cast %parallel_loop3A_128 : vector<1x16xf32> to vector<16xf32>
          %parallel_loop3A_130 = vector.shape_cast %parallel_loop3A_125 : vector<16xf32> to vector<1x16xf32>
          tpu.vector_store %arg18[%parallel_loop3A_126, %parallel_loop3A_127], %parallel_loop3A_130 {strides = array<i32>} : memref<80x128xf32, #tpu.memory_space<vmem>>, vector<1x16xf32>,
          %parallel_loop3A_131 = arith.index_cast %parallel_loop3A_102 : i32 to index
          %parallel_loop3A_132 = arith.constant 32 : index
          %parallel_loop3A_133 = tpu.vector_load %arg18[%parallel_loop3A_131, %parallel_loop3A_132] {strides = array<i32>} : memref<80x128xf32, #tpu.memory_space<vmem>>, vector<1x16xf32>,
          %parallel_loop3A_134 = vector.shape_cast %parallel_loop3A_133 : vector<1x16xf32> to vector<16xf32>
          %parallel_loop3A_135 = arith.index_cast %parallel_loop3A_102 : i32 to index
          %parallel_loop3A_136 = arith.constant 32 : index
          %parallel_loop3A_137 = tpu.vector_load %arg16[%parallel_loop3A_135, %parallel_loop3A_136] {strides = array<i32>} : memref<80x128xf32, #tpu.memory_space<vmem>>, vector<1x16xf32>,
          %parallel_loop3A_138 = vector.shape_cast %parallel_loop3A_137 : vector<1x16xf32> to vector<16xf32>
          %parallel_loop3A_139 = arith.mulf %parallel_loop3A_134, %parallel_loop3A_138 : vector<16xf32>
          %parallel_loop3A_140 = arith.index_cast %parallel_loop3A_102 : i32 to index
          %parallel_loop3A_141 = arith.constant 32 : index
          %parallel_loop3A_142 = tpu.vector_load %arg18[%parallel_loop3A_140, %parallel_loop3A_141] {strides = array<i32>} : memref<80x128xf32, #tpu.memory_space<vmem>>, vector<1x16xf32>,
          %parallel_loop3A_143 = vector.shape_cast %parallel_loop3A_142 : vector<1x16xf32> to vector<16xf32>
          %parallel_loop3A_144 = vector.shape_cast %parallel_loop3A_139 : vector<16xf32> to vector<1x16xf32>
          tpu.vector_store %arg18[%parallel_loop3A_140, %parallel_loop3A_141], %parallel_loop3A_144 {strides = array<i32>} : memref<80x128xf32, #tpu.memory_space<vmem>>, vector<1x16xf32>,
          %parallel_loop3A_145 = arith.index_cast %parallel_loop3A_102 : i32 to index
          %parallel_loop3A_146 = arith.constant 48 : index
          %parallel_loop3A_147 = tpu.vector_load %arg18[%parallel_loop3A_145, %parallel_loop3A_146] {strides = array<i32>} : memref<80x128xf32, #tpu.memory_space<vmem>>, vector<1x16xf32>,
          %parallel_loop3A_148 = vector.shape_cast %parallel_loop3A_147 : vector<1x16xf32> to vector<16xf32>
          %parallel_loop3A_149 = arith.index_cast %parallel_loop3A_102 : i32 to index
          %parallel_loop3A_150 = arith.constant 48 : index
          %parallel_loop3A_151 = tpu.vector_load %arg16[%parallel_loop3A_149, %parallel_loop3A_150] {strides = array<i32>} : memref<80x128xf32, #tpu.memory_space<vmem>>, vector<1x16xf32>,
          %parallel_loop3A_152 = vector.shape_cast %parallel_loop3A_151 : vector<1x16xf32> to vector<16xf32>
          %parallel_loop3A_153 = arith.mulf %parallel_loop3A_148, %parallel_loop3A_152 : vector<16xf32>
          %parallel_loop3A_154 = arith.index_cast %parallel_loop3A_102 : i32 to index
          %parallel_loop3A_155 = arith.constant 48 : index
          %parallel_loop3A_156 = tpu.vector_load %arg18[%parallel_loop3A_154, %parallel_loop3A_155] {strides = array<i32>} : memref<80x128xf32, #tpu.memory_space<vmem>>, vector<1x16xf32>,
          %parallel_loop3A_157 = vector.shape_cast %parallel_loop3A_156 : vector<1x16xf32> to vector<16xf32>
          %parallel_loop3A_158 = vector.shape_cast %parallel_loop3A_153 : vector<16xf32> to vector<1x16xf32>
          tpu.vector_store %arg18[%parallel_loop3A_154, %parallel_loop3A_155], %parallel_loop3A_158 {strides = array<i32>} : memref<80x128xf32, #tpu.memory_space<vmem>>, vector<1x16xf32>,
          %parallel_loop3A_159 = arith.index_cast %parallel_loop3A_102 : i32 to index
          %parallel_loop3A_160 = arith.constant 64 : index
          %parallel_loop3A_161 = tpu.vector_load %arg18[%parallel_loop3A_159, %parallel_loop3A_160] {strides = array<i32>} : memref<80x128xf32, #tpu.memory_space<vmem>>, vector<1x16xf32>,
          %parallel_loop3A_162 = vector.shape_cast %parallel_loop3A_161 : vector<1x16xf32> to vector<16xf32>
          %parallel_loop3A_163 = arith.index_cast %parallel_loop3A_102 : i32 to index
          %parallel_loop3A_164 = arith.constant 64 : index
          %parallel_loop3A_165 = tpu.vector_load %arg16[%parallel_loop3A_163, %parallel_loop3A_164] {strides = array<i32>} : memref<80x128xf32, #tpu.memory_space<vmem>>, vector<1x16xf32>,
          %parallel_loop3A_166 = vector.shape_cast %parallel_loop3A_165 : vector<1x16xf32> to vector<16xf32>
          %parallel_loop3A_167 = arith.mulf %parallel_loop3A_162, %parallel_loop3A_166 : vector<16xf32>
          %parallel_loop3A_168 = arith.index_cast %parallel_loop3A_102 : i32 to index
          %parallel_loop3A_169 = arith.constant 64 : index
          %parallel_loop3A_170 = tpu.vector_load %arg18[%parallel_loop3A_168, %parallel_loop3A_169] {strides = array<i32>} : memref<80x128xf32, #tpu.memory_space<vmem>>, vector<1x16xf32>,
          %parallel_loop3A_171 = vector.shape_cast %parallel_loop3A_170 : vector<1x16xf32> to vector<16xf32>
          %parallel_loop3A_172 = vector.shape_cast %parallel_loop3A_167 : vector<16xf32> to vector<1x16xf32>
          tpu.vector_store %arg18[%parallel_loop3A_168, %parallel_loop3A_169], %parallel_loop3A_172 {strides = array<i32>} : memref<80x128xf32, #tpu.memory_space<vmem>>, vector<1x16xf32>,
          %parallel_loop3A_173 = arith.index_cast %parallel_loop3A_102 : i32 to index
          %parallel_loop3A_174 = arith.constant 80 : index
          %parallel_loop3A_175 = tpu.vector_load %arg18[%parallel_loop3A_173, %parallel_loop3A_174] {strides = array<i32>} : memref<80x128xf32, #tpu.memory_space<vmem>>, vector<1x16xf32>,
          %parallel_loop3A_176 = vector.shape_cast %parallel_loop3A_175 : vector<1x16xf32> to vector<16xf32>
          %parallel_loop3A_177 = arith.index_cast %parallel_loop3A_102 : i32 to index
          %parallel_loop3A_178 = arith.constant 80 : index
          %parallel_loop3A_179 = tpu.vector_load %arg16[%parallel_loop3A_177, %parallel_loop3A_178] {strides = array<i32>} : memref<80x128xf32, #tpu.memory_space<vmem>>, vector<1x16xf32>,
          %parallel_loop3A_180 = vector.shape_cast %parallel_loop3A_179 : vector<1x16xf32> to vector<16xf32>
          %parallel_loop3A_181 = arith.mulf %parallel_loop3A_176, %parallel_loop3A_180 : vector<16xf32>
          %parallel_loop3A_182 = arith.index_cast %parallel_loop3A_102 : i32 to index
          %parallel_loop3A_183 = arith.constant 80 : index
          %parallel_loop3A_184 = tpu.vector_load %arg18[%parallel_loop3A_182, %parallel_loop3A_183] {strides = array<i32>} : memref<80x128xf32, #tpu.memory_space<vmem>>, vector<1x16xf32>,
          %parallel_loop3A_185 = vector.shape_cast %parallel_loop3A_184 : vector<1x16xf32> to vector<16xf32>
          %parallel_loop3A_186 = vector.shape_cast %parallel_loop3A_181 : vector<16xf32> to vector<1x16xf32>
          tpu.vector_store %arg18[%parallel_loop3A_182, %parallel_loop3A_183], %parallel_loop3A_186 {strides = array<i32>} : memref<80x128xf32, #tpu.memory_space<vmem>>, vector<1x16xf32>,
          %parallel_loop3A_187 = arith.index_cast %parallel_loop3A_102 : i32 to index
          %parallel_loop3A_188 = arith.constant 96 : index
          %parallel_loop3A_189 = tpu.vector_load %arg18[%parallel_loop3A_187, %parallel_loop3A_188] {strides = array<i32>} : memref<80x128xf32, #tpu.memory_space<vmem>>, vector<1x16xf32>,
          %parallel_loop3A_190 = vector.shape_cast %parallel_loop3A_189 : vector<1x16xf32> to vector<16xf32>
          %parallel_loop3A_191 = arith.index_cast %parallel_loop3A_102 : i32 to index
          %parallel_loop3A_192 = arith.constant 96 : index
          %parallel_loop3A_193 = tpu.vector_load %arg16[%parallel_loop3A_191, %parallel_loop3A_192] {strides = array<i32>} : memref<80x128xf32, #tpu.memory_space<vmem>>, vector<1x16xf32>,
          %parallel_loop3A_194 = vector.shape_cast %parallel_loop3A_193 : vector<1x16xf32> to vector<16xf32>
          %parallel_loop3A_195 = arith.mulf %parallel_loop3A_190, %parallel_loop3A_194 : vector<16xf32>
          %parallel_loop3A_196 = arith.index_cast %parallel_loop3A_102 : i32 to index
          %parallel_loop3A_197 = arith.constant 96 : index
          %parallel_loop3A_198 = tpu.vector_load %arg18[%parallel_loop3A_196, %parallel_loop3A_197] {strides = array<i32>} : memref<80x128xf32, #tpu.memory_space<vmem>>, vector<1x16xf32>,
          %parallel_loop3A_199 = vector.shape_cast %parallel_loop3A_198 : vector<1x16xf32> to vector<16xf32>
          %parallel_loop3A_200 = vector.shape_cast %parallel_loop3A_195 : vector<16xf32> to vector<1x16xf32>
          tpu.vector_store %arg18[%parallel_loop3A_196, %parallel_loop3A_197], %parallel_loop3A_200 {strides = array<i32>} : memref<80x128xf32, #tpu.memory_space<vmem>>, vector<1x16xf32>,
          %parallel_loop3A_201 = arith.index_cast %parallel_loop3A_102 : i32 to index
          %parallel_loop3A_202 = arith.constant 112 : index
          %parallel_loop3A_203 = tpu.vector_load %arg18[%parallel_loop3A_201, %parallel_loop3A_202] {strides = array<i32>} : memref<80x128xf32, #tpu.memory_space<vmem>>, vector<1x16xf32>,
          %parallel_loop3A_204 = vector.shape_cast %parallel_loop3A_203 : vector<1x16xf32> to vector<16xf32>
          %parallel_loop3A_205 = arith.index_cast %parallel_loop3A_102 : i32 to index
          %parallel_loop3A_206 = arith.constant 112 : index
          %parallel_loop3A_207 = tpu.vector_load %arg16[%parallel_loop3A_205, %parallel_loop3A_206] {strides = array<i32>} : memref<80x128xf32, #tpu.memory_space<vmem>>, vector<1x16xf32>,
          %parallel_loop3A_208 = vector.shape_cast %parallel_loop3A_207 : vector<1x16xf32> to vector<16xf32>
          %parallel_loop3A_209 = arith.mulf %parallel_loop3A_204, %parallel_loop3A_208 : vector<16xf32>
          %parallel_loop3A_210 = arith.index_cast %parallel_loop3A_102 : i32 to index
          %parallel_loop3A_211 = arith.constant 112 : index
          %parallel_loop3A_212 = tpu.vector_load %arg18[%parallel_loop3A_210, %parallel_loop3A_211] {strides = array<i32>} : memref<80x128xf32, #tpu.memory_space<vmem>>, vector<1x16xf32>,
          %parallel_loop3A_213 = vector.shape_cast %parallel_loop3A_212 : vector<1x16xf32> to vector<16xf32>
          %parallel_loop3A_214 = vector.shape_cast %parallel_loop3A_209 : vector<16xf32> to vector<1x16xf32>
          tpu.vector_store %arg18[%parallel_loop3A_210, %parallel_loop3A_211], %parallel_loop3A_214 {strides = array<i32>} : memref<80x128xf32, #tpu.memory_space<vmem>>, vector<1x16xf32>,
        } {sc.loop_unroll_factor = 4 : i64, sc.parallel_access}
        %dma_start3A_99 = arith.constant 0 : i32
        %dma_start3A_100 = arith.constant 0 : i32
        %dma_start3A_101 = tpu.memref_slice %arg20[%dma_start3A_99, %dma_start3A_100] : memref<10240x128xf32, #tpu.memory_space<vmem_shared>> -> memref<10240x128xf32, #tpu.memory_space<vmem_shared>>
        tpu.enqueue_indirect_dma source(%arg18 : memref<80x128xf32, #tpu.memory_space<vmem>>) target(%dma_start3A_101 : memref<10240x128xf32, #tpu.memory_space<vmem_shared>>) offsets(%arg8 : memref<80xi32, #tpu.memory_space<vmem>>) semaphore(%arg29 : memref<!tpu.dma_semaphore, #tpu.memory_space<semaphore_mem>>) {add = true}
      } else {
      }
      %add3A_48 = arith.constant 1 : i32
      %add3A_49 = arith.addi %mul3A_43, %add3A_48 : i32
      %lt3A_50 = arith.constant 125 : i32
      %lt3A_51 = arith.cmpi slt, %add3A_49, %lt3A_50 : i32
      %convert_element_type3A_52 = arith.extui %lt3A_51 : i1 to i32
      %cond3A_53 = arith.constant 0 : i32
      %cond3A_54 = arith.cmpi ne, %convert_element_type3A_52, %cond3A_53 : i32
      scf.if %cond3A_54 {
        %dma_wait3A_69 = arith.constant 0 : i32
        %dma_wait3A_70 = arith.constant 0 : i32
        %dma_wait3A_71 = tpu.memref_slice %arg3[%dma_wait3A_69, %dma_wait3A_70] : memref<10240x128xf32, #tpu.memory_space<hbm>> -> memref<10240x128xf32, #tpu.memory_space<hbm>>
        tpu.wait_indirect_dma semaphore(%arg28 : memref<!tpu.dma_semaphore, #tpu.memory_space<semaphore_mem>>) src(%dma_wait3A_71 : memref<10240x128xf32, #tpu.memory_space<hbm>>) dst(%arg19 : memref<80x128xf32, #tpu.memory_space<vmem>>)
        %mul3A_72 = arith.constant 80 : i32
        %mul3A_73 = arith.muli %add3A_49, %mul3A_72 : i32
        %add3A_74 = arith.addi %mul3A_2, %mul3A_73 : i32
        %dma_wait3A_75 = arith.constant 0 : i32
        %dma_wait3A_76 = tpu.memref_slice %arg2[%add3A_74, %dma_wait3A_75] : memref<320000x128xf32, #tpu.memory_space<hbm>> -> memref<80x128xf32, #tpu.memory_space<hbm>>
        %dma_wait3A_77 = arith.constant 0 : i32
        %dma_wait3A_78 = tpu.memref_slice %arg2[%add3A_74, %dma_wait3A_77] : memref<320000x128xf32, #tpu.memory_space<hbm>> -> memref<80x128xf32, #tpu.memory_space<hbm>>
        tpu.wait_dma2 semaphore(%arg26 : memref<!tpu.dma_semaphore, #tpu.memory_space<semaphore_mem>>) src(%dma_wait3A_78 : memref<80x128xf32, #tpu.memory_space<hbm>>) dst(%arg17 : memref<80x128xf32, #tpu.memory_space<vmem>>)
        %add3A_79 = arith.constant 2 : i32
        %add3A_80 = arith.addi %add3A_49, %add3A_79 : i32
        %lt3A_81 = arith.constant 125 : i32
        %lt3A_82 = arith.cmpi slt, %add3A_80, %lt3A_81 : i32
        %convert_element_type3A_83 = arith.extui %lt3A_82 : i1 to i32
        %cond3A_84 = arith.constant 0 : i32
        %cond3A_85 = arith.cmpi ne, %convert_element_type3A_83, %cond3A_84 : i32
        scf.if %cond3A_85 {
          %add3A_102 = arith.constant 2 : i32
          %add3A_103 = arith.addi %add3A_49, %add3A_102 : i32
          %mul3A_104 = arith.constant 80 : i32
          %mul3A_105 = arith.muli %add3A_103, %mul3A_104 : i32
          %add3A_106 = arith.addi %mul3A_2, %mul3A_105 : i32
          %dma_start3A_107 = tpu.memref_slice %arg5[%add3A_106] : memref<320000xi32, #tpu.memory_space<hbm>> -> memref<80xi32, #tpu.memory_space<hbm>>
          %dma_start3A_108 = tpu.memref_slice %arg5[%add3A_106] : memref<320000xi32, #tpu.memory_space<hbm>> -> memref<80xi32, #tpu.memory_space<hbm>>
          tpu.enqueue_dma source(%dma_start3A_108 : memref<80xi32, #tpu.memory_space<hbm>>) target(%arg15 : memref<80xi32, #tpu.memory_space<vmem>>) target_semaphore(%arg24 : memref<!tpu.dma_semaphore, #tpu.memory_space<semaphore_mem>>)
          %dma_start3A_109 = tpu.memref_slice %arg4[%add3A_106] : memref<320000xi32, #tpu.memory_space<hbm>> -> memref<80xi32, #tpu.memory_space<hbm>>
          %dma_start3A_110 = tpu.memref_slice %arg4[%add3A_106] : memref<320000xi32, #tpu.memory_space<hbm>> -> memref<80xi32, #tpu.memory_space<hbm>>
          tpu.enqueue_dma source(%dma_start3A_110 : memref<80xi32, #tpu.memory_space<hbm>>) target(%arg11 : memref<80xi32, #tpu.memory_space<vmem>>) target_semaphore(%arg24 : memref<!tpu.dma_semaphore, #tpu.memory_space<semaphore_mem>>)
        } else {
        }
        %ge3A = arith.constant 1 : i32
        %ge3A_86 = arith.cmpi sge, %add3A_49, %ge3A : i32
        %convert_element_type3A_87 = arith.extui %ge3A_86 : i1 to i32
        %cond3A_88 = arith.constant 0 : i32
        %cond3A_89 = arith.cmpi ne, %convert_element_type3A_87, %cond3A_88 : i32
        scf.if %cond3A_89 {
          %dma_wait3A_102 = arith.constant 0 : i32
          %dma_wait3A_103 = arith.constant 0 : i32
          %dma_wait3A_104 = tpu.memref_slice %arg20[%dma_wait3A_102, %dma_wait3A_103] : memref<10240x128xf32, #tpu.memory_space<vmem_shared>> -> memref<10240x128xf32, #tpu.memory_space<vmem_shared>>
          tpu.wait_indirect_dma semaphore(%arg29 : memref<!tpu.dma_semaphore, #tpu.memory_space<semaphore_mem>>) src(%arg18 : memref<80x128xf32, #tpu.memory_space<vmem>>) dst(%dma_wait3A_104 : memref<10240x128xf32, #tpu.memory_space<vmem_shared>>)
        } else {
        }
        %add3A_90 = arith.constant 1 : i32
        %add3A_91 = arith.addi %add3A_49, %add3A_90 : i32
        %lt3A_92 = arith.constant 125 : i32
        %lt3A_93 = arith.cmpi slt, %add3A_91, %lt3A_92 : i32
        %convert_element_type3A_94 = arith.extui %lt3A_93 : i1 to i32
        %cond3A_95 = arith.constant 0 : i32
        %cond3A_96 = arith.cmpi ne, %convert_element_type3A_94, %cond3A_95 : i32
        scf.if %cond3A_96 {
          %dma_wait3A_102 = arith.constant 0 : i32
          %dma_wait3A_103 = tpu.memref_slice %arg5[%dma_wait3A_102] : memref<320000xi32, #tpu.memory_space<hbm>> -> memref<80xi32, #tpu.memory_space<hbm>>
          %dma_wait3A_104 = arith.constant 0 : i32
          %dma_wait3A_105 = tpu.memref_slice %arg5[%dma_wait3A_104] : memref<320000xi32, #tpu.memory_space<hbm>> -> memref<80xi32, #tpu.memory_space<hbm>>
          tpu.wait_dma2 semaphore(%arg23 : memref<!tpu.dma_semaphore, #tpu.memory_space<semaphore_mem>>) src(%dma_wait3A_105 : memref<80xi32, #tpu.memory_space<hbm>>) dst(%arg14 : memref<80xi32, #tpu.memory_space<vmem>>)
          %dma_wait3A_106 = arith.constant 0 : i32
          %dma_wait3A_107 = tpu.memref_slice %arg4[%dma_wait3A_106] : memref<320000xi32, #tpu.memory_space<hbm>> -> memref<80xi32, #tpu.memory_space<hbm>>
          %dma_wait3A_108 = arith.constant 0 : i32
          %dma_wait3A_109 = tpu.memref_slice %arg4[%dma_wait3A_108] : memref<320000xi32, #tpu.memory_space<hbm>> -> memref<80xi32, #tpu.memory_space<hbm>>
          tpu.wait_dma2 semaphore(%arg23 : memref<!tpu.dma_semaphore, #tpu.memory_space<semaphore_mem>>) src(%dma_wait3A_109 : memref<80xi32, #tpu.memory_space<hbm>>) dst(%arg10 : memref<80xi32, #tpu.memory_space<vmem>>)
          %add3A_110 = arith.constant 1 : i32
          %add3A_111 = arith.addi %add3A_49, %add3A_110 : i32
          %dma_start3A_112 = arith.constant 0 : i32
          %dma_start3A_113 = arith.constant 0 : i32
          %dma_start3A_114 = tpu.memref_slice %arg3[%dma_start3A_112, %dma_start3A_113] : memref<10240x128xf32, #tpu.memory_space<hbm>> -> memref<10240x128xf32, #tpu.memory_space<hbm>>
          tpu.enqueue_indirect_dma source(%dma_start3A_114 : memref<10240x128xf32, #tpu.memory_space<hbm>>) target(%arg18 : memref<80x128xf32, #tpu.memory_space<vmem>>) offsets(%arg14 : memref<80xi32, #tpu.memory_space<vmem>>) semaphore(%arg27 : memref<!tpu.dma_semaphore, #tpu.memory_space<semaphore_mem>>)
          %mul3A_115 = arith.constant 80 : i32
          %mul3A_116 = arith.muli %add3A_111, %mul3A_115 : i32
          %add3A_117 = arith.addi %mul3A_2, %mul3A_116 : i32
          %dma_start3A_118 = arith.constant 0 : i32
          %dma_start3A_119 = tpu.memref_slice %arg2[%add3A_117, %dma_start3A_118] : memref<320000x128xf32, #tpu.memory_space<hbm>> -> memref<80x128xf32, #tpu.memory_space<hbm>>
          %dma_start3A_120 = arith.constant 0 : i32
          %dma_start3A_121 = tpu.memref_slice %arg2[%add3A_117, %dma_start3A_120] : memref<320000x128xf32, #tpu.memory_space<hbm>> -> memref<80x128xf32, #tpu.memory_space<hbm>>
          tpu.enqueue_dma source(%dma_start3A_121 : memref<80x128xf32, #tpu.memory_space<hbm>>) target(%arg16 : memref<80x128xf32, #tpu.memory_space<vmem>>) target_semaphore(%arg25 : memref<!tpu.dma_semaphore, #tpu.memory_space<semaphore_mem>>)
        } else {
        }
        %parallel_loop3A = arith.constant 0 : i32
        %parallel_loop3A_97 = arith.constant 80 : i32
        %parallel_loop3A_98 = arith.constant 1 : i32
        scf.for %parallel_loop3A_102 = %parallel_loop3A to %parallel_loop3A_97 step %parallel_loop3A_98  : i32 {
          %parallel_loop3A_103 = arith.index_cast %parallel_loop3A_102 : i32 to index
          %parallel_loop3A_104 = arith.constant 0 : index
          %parallel_loop3A_105 = tpu.vector_load %arg19[%parallel_loop3A_103, %parallel_loop3A_104] {strides = array<i32>} : memref<80x128xf32, #tpu.memory_space<vmem>>, vector<1x16xf32>,
          %parallel_loop3A_106 = vector.shape_cast %parallel_loop3A_105 : vector<1x16xf32> to vector<16xf32>
          %parallel_loop3A_107 = arith.index_cast %parallel_loop3A_102 : i32 to index
          %parallel_loop3A_108 = arith.constant 0 : index
          %parallel_loop3A_109 = tpu.vector_load %arg17[%parallel_loop3A_107, %parallel_loop3A_108] {strides = array<i32>} : memref<80x128xf32, #tpu.memory_space<vmem>>, vector<1x16xf32>,
          %parallel_loop3A_110 = vector.shape_cast %parallel_loop3A_109 : vector<1x16xf32> to vector<16xf32>
          %parallel_loop3A_111 = arith.mulf %parallel_loop3A_106, %parallel_loop3A_110 : vector<16xf32>
          %parallel_loop3A_112 = arith.index_cast %parallel_loop3A_102 : i32 to index
          %parallel_loop3A_113 = arith.constant 0 : index
          %parallel_loop3A_114 = tpu.vector_load %arg19[%parallel_loop3A_112, %parallel_loop3A_113] {strides = array<i32>} : memref<80x128xf32, #tpu.memory_space<vmem>>, vector<1x16xf32>,
          %parallel_loop3A_115 = vector.shape_cast %parallel_loop3A_114 : vector<1x16xf32> to vector<16xf32>
          %parallel_loop3A_116 = vector.shape_cast %parallel_loop3A_111 : vector<16xf32> to vector<1x16xf32>
          tpu.vector_store %arg19[%parallel_loop3A_112, %parallel_loop3A_113], %parallel_loop3A_116 {strides = array<i32>} : memref<80x128xf32, #tpu.memory_space<vmem>>, vector<1x16xf32>,
          %parallel_loop3A_117 = arith.index_cast %parallel_loop3A_102 : i32 to index
          %parallel_loop3A_118 = arith.constant 16 : index
          %parallel_loop3A_119 = tpu.vector_load %arg19[%parallel_loop3A_117, %parallel_loop3A_118] {strides = array<i32>} : memref<80x128xf32, #tpu.memory_space<vmem>>, vector<1x16xf32>,
          %parallel_loop3A_120 = vector.shape_cast %parallel_loop3A_119 : vector<1x16xf32> to vector<16xf32>
          %parallel_loop3A_121 = arith.index_cast %parallel_loop3A_102 : i32 to index
          %parallel_loop3A_122 = arith.constant 16 : index
          %parallel_loop3A_123 = tpu.vector_load %arg17[%parallel_loop3A_121, %parallel_loop3A_122] {strides = array<i32>} : memref<80x128xf32, #tpu.memory_space<vmem>>, vector<1x16xf32>,
          %parallel_loop3A_124 = vector.shape_cast %parallel_loop3A_123 : vector<1x16xf32> to vector<16xf32>
          %parallel_loop3A_125 = arith.mulf %parallel_loop3A_120, %parallel_loop3A_124 : vector<16xf32>
          %parallel_loop3A_126 = arith.index_cast %parallel_loop3A_102 : i32 to index
          %parallel_loop3A_127 = arith.constant 16 : index
          %parallel_loop3A_128 = tpu.vector_load %arg19[%parallel_loop3A_126, %parallel_loop3A_127] {strides = array<i32>} : memref<80x128xf32, #tpu.memory_space<vmem>>, vector<1x16xf32>,
          %parallel_loop3A_129 = vector.shape_cast %parallel_loop3A_128 : vector<1x16xf32> to vector<16xf32>
          %parallel_loop3A_130 = vector.shape_cast %parallel_loop3A_125 : vector<16xf32> to vector<1x16xf32>
          tpu.vector_store %arg19[%parallel_loop3A_126, %parallel_loop3A_127], %parallel_loop3A_130 {strides = array<i32>} : memref<80x128xf32, #tpu.memory_space<vmem>>, vector<1x16xf32>,
          %parallel_loop3A_131 = arith.index_cast %parallel_loop3A_102 : i32 to index
          %parallel_loop3A_132 = arith.constant 32 : index
          %parallel_loop3A_133 = tpu.vector_load %arg19[%parallel_loop3A_131, %parallel_loop3A_132] {strides = array<i32>} : memref<80x128xf32, #tpu.memory_space<vmem>>, vector<1x16xf32>,
          %parallel_loop3A_134 = vector.shape_cast %parallel_loop3A_133 : vector<1x16xf32> to vector<16xf32>
          %parallel_loop3A_135 = arith.index_cast %parallel_loop3A_102 : i32 to index
          %parallel_loop3A_136 = arith.constant 32 : index
          %parallel_loop3A_137 = tpu.vector_load %arg17[%parallel_loop3A_135, %parallel_loop3A_136] {strides = array<i32>} : memref<80x128xf32, #tpu.memory_space<vmem>>, vector<1x16xf32>,
          %parallel_loop3A_138 = vector.shape_cast %parallel_loop3A_137 : vector<1x16xf32> to vector<16xf32>
          %parallel_loop3A_139 = arith.mulf %parallel_loop3A_134, %parallel_loop3A_138 : vector<16xf32>
          %parallel_loop3A_140 = arith.index_cast %parallel_loop3A_102 : i32 to index
          %parallel_loop3A_141 = arith.constant 32 : index
          %parallel_loop3A_142 = tpu.vector_load %arg19[%parallel_loop3A_140, %parallel_loop3A_141] {strides = array<i32>} : memref<80x128xf32, #tpu.memory_space<vmem>>, vector<1x16xf32>,
          %parallel_loop3A_143 = vector.shape_cast %parallel_loop3A_142 : vector<1x16xf32> to vector<16xf32>
          %parallel_loop3A_144 = vector.shape_cast %parallel_loop3A_139 : vector<16xf32> to vector<1x16xf32>
          tpu.vector_store %arg19[%parallel_loop3A_140, %parallel_loop3A_141], %parallel_loop3A_144 {strides = array<i32>} : memref<80x128xf32, #tpu.memory_space<vmem>>, vector<1x16xf32>,
          %parallel_loop3A_145 = arith.index_cast %parallel_loop3A_102 : i32 to index
          %parallel_loop3A_146 = arith.constant 48 : index
          %parallel_loop3A_147 = tpu.vector_load %arg19[%parallel_loop3A_145, %parallel_loop3A_146] {strides = array<i32>} : memref<80x128xf32, #tpu.memory_space<vmem>>, vector<1x16xf32>,
          %parallel_loop3A_148 = vector.shape_cast %parallel_loop3A_147 : vector<1x16xf32> to vector<16xf32>
          %parallel_loop3A_149 = arith.index_cast %parallel_loop3A_102 : i32 to index
          %parallel_loop3A_150 = arith.constant 48 : index
          %parallel_loop3A_151 = tpu.vector_load %arg17[%parallel_loop3A_149, %parallel_loop3A_150] {strides = array<i32>} : memref<80x128xf32, #tpu.memory_space<vmem>>, vector<1x16xf32>,
          %parallel_loop3A_152 = vector.shape_cast %parallel_loop3A_151 : vector<1x16xf32> to vector<16xf32>
          %parallel_loop3A_153 = arith.mulf %parallel_loop3A_148, %parallel_loop3A_152 : vector<16xf32>
          %parallel_loop3A_154 = arith.index_cast %parallel_loop3A_102 : i32 to index
          %parallel_loop3A_155 = arith.constant 48 : index
          %parallel_loop3A_156 = tpu.vector_load %arg19[%parallel_loop3A_154, %parallel_loop3A_155] {strides = array<i32>} : memref<80x128xf32, #tpu.memory_space<vmem>>, vector<1x16xf32>,
          %parallel_loop3A_157 = vector.shape_cast %parallel_loop3A_156 : vector<1x16xf32> to vector<16xf32>
          %parallel_loop3A_158 = vector.shape_cast %parallel_loop3A_153 : vector<16xf32> to vector<1x16xf32>
          tpu.vector_store %arg19[%parallel_loop3A_154, %parallel_loop3A_155], %parallel_loop3A_158 {strides = array<i32>} : memref<80x128xf32, #tpu.memory_space<vmem>>, vector<1x16xf32>,
          %parallel_loop3A_159 = arith.index_cast %parallel_loop3A_102 : i32 to index
          %parallel_loop3A_160 = arith.constant 64 : index
          %parallel_loop3A_161 = tpu.vector_load %arg19[%parallel_loop3A_159, %parallel_loop3A_160] {strides = array<i32>} : memref<80x128xf32, #tpu.memory_space<vmem>>, vector<1x16xf32>,
          %parallel_loop3A_162 = vector.shape_cast %parallel_loop3A_161 : vector<1x16xf32> to vector<16xf32>
          %parallel_loop3A_163 = arith.index_cast %parallel_loop3A_102 : i32 to index
          %parallel_loop3A_164 = arith.constant 64 : index
          %parallel_loop3A_165 = tpu.vector_load %arg17[%parallel_loop3A_163, %parallel_loop3A_164] {strides = array<i32>} : memref<80x128xf32, #tpu.memory_space<vmem>>, vector<1x16xf32>,
          %parallel_loop3A_166 = vector.shape_cast %parallel_loop3A_165 : vector<1x16xf32> to vector<16xf32>
          %parallel_loop3A_167 = arith.mulf %parallel_loop3A_162, %parallel_loop3A_166 : vector<16xf32>
          %parallel_loop3A_168 = arith.index_cast %parallel_loop3A_102 : i32 to index
          %parallel_loop3A_169 = arith.constant 64 : index
          %parallel_loop3A_170 = tpu.vector_load %arg19[%parallel_loop3A_168, %parallel_loop3A_169] {strides = array<i32>} : memref<80x128xf32, #tpu.memory_space<vmem>>, vector<1x16xf32>,
          %parallel_loop3A_171 = vector.shape_cast %parallel_loop3A_170 : vector<1x16xf32> to vector<16xf32>
          %parallel_loop3A_172 = vector.shape_cast %parallel_loop3A_167 : vector<16xf32> to vector<1x16xf32>
          tpu.vector_store %arg19[%parallel_loop3A_168, %parallel_loop3A_169], %parallel_loop3A_172 {strides = array<i32>} : memref<80x128xf32, #tpu.memory_space<vmem>>, vector<1x16xf32>,
          %parallel_loop3A_173 = arith.index_cast %parallel_loop3A_102 : i32 to index
          %parallel_loop3A_174 = arith.constant 80 : index
          %parallel_loop3A_175 = tpu.vector_load %arg19[%parallel_loop3A_173, %parallel_loop3A_174] {strides = array<i32>} : memref<80x128xf32, #tpu.memory_space<vmem>>, vector<1x16xf32>,
          %parallel_loop3A_176 = vector.shape_cast %parallel_loop3A_175 : vector<1x16xf32> to vector<16xf32>
          %parallel_loop3A_177 = arith.index_cast %parallel_loop3A_102 : i32 to index
          %parallel_loop3A_178 = arith.constant 80 : index
          %parallel_loop3A_179 = tpu.vector_load %arg17[%parallel_loop3A_177, %parallel_loop3A_178] {strides = array<i32>} : memref<80x128xf32, #tpu.memory_space<vmem>>, vector<1x16xf32>,
          %parallel_loop3A_180 = vector.shape_cast %parallel_loop3A_179 : vector<1x16xf32> to vector<16xf32>
          %parallel_loop3A_181 = arith.mulf %parallel_loop3A_176, %parallel_loop3A_180 : vector<16xf32>
          %parallel_loop3A_182 = arith.index_cast %parallel_loop3A_102 : i32 to index
          %parallel_loop3A_183 = arith.constant 80 : index
          %parallel_loop3A_184 = tpu.vector_load %arg19[%parallel_loop3A_182, %parallel_loop3A_183] {strides = array<i32>} : memref<80x128xf32, #tpu.memory_space<vmem>>, vector<1x16xf32>,
          %parallel_loop3A_185 = vector.shape_cast %parallel_loop3A_184 : vector<1x16xf32> to vector<16xf32>
          %parallel_loop3A_186 = vector.shape_cast %parallel_loop3A_181 : vector<16xf32> to vector<1x16xf32>
          tpu.vector_store %arg19[%parallel_loop3A_182, %parallel_loop3A_183], %parallel_loop3A_186 {strides = array<i32>} : memref<80x128xf32, #tpu.memory_space<vmem>>, vector<1x16xf32>,
          %parallel_loop3A_187 = arith.index_cast %parallel_loop3A_102 : i32 to index
          %parallel_loop3A_188 = arith.constant 96 : index
          %parallel_loop3A_189 = tpu.vector_load %arg19[%parallel_loop3A_187, %parallel_loop3A_188] {strides = array<i32>} : memref<80x128xf32, #tpu.memory_space<vmem>>, vector<1x16xf32>,
          %parallel_loop3A_190 = vector.shape_cast %parallel_loop3A_189 : vector<1x16xf32> to vector<16xf32>
          %parallel_loop3A_191 = arith.index_cast %parallel_loop3A_102 : i32 to index
          %parallel_loop3A_192 = arith.constant 96 : index
          %parallel_loop3A_193 = tpu.vector_load %arg17[%parallel_loop3A_191, %parallel_loop3A_192] {strides = array<i32>} : memref<80x128xf32, #tpu.memory_space<vmem>>, vector<1x16xf32>,
          %parallel_loop3A_194 = vector.shape_cast %parallel_loop3A_193 : vector<1x16xf32> to vector<16xf32>
          %parallel_loop3A_195 = arith.mulf %parallel_loop3A_190, %parallel_loop3A_194 : vector<16xf32>
          %parallel_loop3A_196 = arith.index_cast %parallel_loop3A_102 : i32 to index
          %parallel_loop3A_197 = arith.constant 96 : index
          %parallel_loop3A_198 = tpu.vector_load %arg19[%parallel_loop3A_196, %parallel_loop3A_197] {strides = array<i32>} : memref<80x128xf32, #tpu.memory_space<vmem>>, vector<1x16xf32>,
          %parallel_loop3A_199 = vector.shape_cast %parallel_loop3A_198 : vector<1x16xf32> to vector<16xf32>
          %parallel_loop3A_200 = vector.shape_cast %parallel_loop3A_195 : vector<16xf32> to vector<1x16xf32>
          tpu.vector_store %arg19[%parallel_loop3A_196, %parallel_loop3A_197], %parallel_loop3A_200 {strides = array<i32>} : memref<80x128xf32, #tpu.memory_space<vmem>>, vector<1x16xf32>,
          %parallel_loop3A_201 = arith.index_cast %parallel_loop3A_102 : i32 to index
          %parallel_loop3A_202 = arith.constant 112 : index
          %parallel_loop3A_203 = tpu.vector_load %arg19[%parallel_loop3A_201, %parallel_loop3A_202] {strides = array<i32>} : memref<80x128xf32, #tpu.memory_space<vmem>>, vector<1x16xf32>,
          %parallel_loop3A_204 = vector.shape_cast %parallel_loop3A_203 : vector<1x16xf32> to vector<16xf32>
          %parallel_loop3A_205 = arith.index_cast %parallel_loop3A_102 : i32 to index
          %parallel_loop3A_206 = arith.constant 112 : index
          %parallel_loop3A_207 = tpu.vector_load %arg17[%parallel_loop3A_205, %parallel_loop3A_206] {strides = array<i32>} : memref<80x128xf32, #tpu.memory_space<vmem>>, vector<1x16xf32>,
          %parallel_loop3A_208 = vector.shape_cast %parallel_loop3A_207 : vector<1x16xf32> to vector<16xf32>
          %parallel_loop3A_209 = arith.mulf %parallel_loop3A_204, %parallel_loop3A_208 : vector<16xf32>
          %parallel_loop3A_210 = arith.index_cast %parallel_loop3A_102 : i32 to index
          %parallel_loop3A_211 = arith.constant 112 : index
          %parallel_loop3A_212 = tpu.vector_load %arg19[%parallel_loop3A_210, %parallel_loop3A_211] {strides = array<i32>} : memref<80x128xf32, #tpu.memory_space<vmem>>, vector<1x16xf32>,
          %parallel_loop3A_213 = vector.shape_cast %parallel_loop3A_212 : vector<1x16xf32> to vector<16xf32>
          %parallel_loop3A_214 = vector.shape_cast %parallel_loop3A_209 : vector<16xf32> to vector<1x16xf32>
          tpu.vector_store %arg19[%parallel_loop3A_210, %parallel_loop3A_211], %parallel_loop3A_214 {strides = array<i32>} : memref<80x128xf32, #tpu.memory_space<vmem>>, vector<1x16xf32>,
        } {sc.loop_unroll_factor = 4 : i64, sc.parallel_access}
        %dma_start3A_99 = arith.constant 0 : i32
        %dma_start3A_100 = arith.constant 0 : i32
        %dma_start3A_101 = tpu.memref_slice %arg20[%dma_start3A_99, %dma_start3A_100] : memref<10240x128xf32, #tpu.memory_space<vmem_shared>> -> memref<10240x128xf32, #tpu.memory_space<vmem_shared>>
        tpu.enqueue_indirect_dma source(%arg19 : memref<80x128xf32, #tpu.memory_space<vmem>>) target(%dma_start3A_101 : memref<10240x128xf32, #tpu.memory_space<vmem_shared>>) offsets(%arg9 : memref<80xi32, #tpu.memory_space<vmem>>) semaphore(%arg30 : memref<!tpu.dma_semaphore, #tpu.memory_space<semaphore_mem>>) {add = true}
      } else {
      }
      %add3A_55 = arith.constant 2 : i32
      %add3A_56 = arith.addi %mul3A_43, %add3A_55 : i32
      %lt3A_57 = arith.constant 125 : i32
      %lt3A_58 = arith.cmpi slt, %add3A_56, %lt3A_57 : i32
      %convert_element_type3A_59 = arith.extui %lt3A_58 : i1 to i32
      %cond3A_60 = arith.constant 0 : i32
      %cond3A_61 = arith.cmpi ne, %convert_element_type3A_59, %cond3A_60 : i32
      scf.if %cond3A_61 {
        %dma_wait3A_69 = arith.constant 0 : i32
        %dma_wait3A_70 = arith.constant 0 : i32
        %dma_wait3A_71 = tpu.memref_slice %arg3[%dma_wait3A_69, %dma_wait3A_70] : memref<10240x128xf32, #tpu.memory_space<hbm>> -> memref<10240x128xf32, #tpu.memory_space<hbm>>
        tpu.wait_indirect_dma semaphore(%arg27 : memref<!tpu.dma_semaphore, #tpu.memory_space<semaphore_mem>>) src(%dma_wait3A_71 : memref<10240x128xf32, #tpu.memory_space<hbm>>) dst(%arg18 : memref<80x128xf32, #tpu.memory_space<vmem>>)
        %mul3A_72 = arith.constant 80 : i32
        %mul3A_73 = arith.muli %add3A_56, %mul3A_72 : i32
        %add3A_74 = arith.addi %mul3A_2, %mul3A_73 : i32
        %dma_wait3A_75 = arith.constant 0 : i32
        %dma_wait3A_76 = tpu.memref_slice %arg2[%add3A_74, %dma_wait3A_75] : memref<320000x128xf32, #tpu.memory_space<hbm>> -> memref<80x128xf32, #tpu.memory_space<hbm>>
        %dma_wait3A_77 = arith.constant 0 : i32
        %dma_wait3A_78 = tpu.memref_slice %arg2[%add3A_74, %dma_wait3A_77] : memref<320000x128xf32, #tpu.memory_space<hbm>> -> memref<80x128xf32, #tpu.memory_space<hbm>>
        tpu.wait_dma2 semaphore(%arg25 : memref<!tpu.dma_semaphore, #tpu.memory_space<semaphore_mem>>) src(%dma_wait3A_78 : memref<80x128xf32, #tpu.memory_space<hbm>>) dst(%arg16 : memref<80x128xf32, #tpu.memory_space<vmem>>)
        %add3A_79 = arith.constant 2 : i32
        %add3A_80 = arith.addi %add3A_56, %add3A_79 : i32
        %lt3A_81 = arith.constant 125 : i32
        %lt3A_82 = arith.cmpi slt, %add3A_80, %lt3A_81 : i32
        %convert_element_type3A_83 = arith.extui %lt3A_82 : i1 to i32
        %cond3A_84 = arith.constant 0 : i32
        %cond3A_85 = arith.cmpi ne, %convert_element_type3A_83, %cond3A_84 : i32
        scf.if %cond3A_85 {
          %add3A_102 = arith.constant 2 : i32
          %add3A_103 = arith.addi %add3A_56, %add3A_102 : i32
          %mul3A_104 = arith.constant 80 : i32
          %mul3A_105 = arith.muli %add3A_103, %mul3A_104 : i32
          %add3A_106 = arith.addi %mul3A_2, %mul3A_105 : i32
          %dma_start3A_107 = tpu.memref_slice %arg5[%add3A_106] : memref<320000xi32, #tpu.memory_space<hbm>> -> memref<80xi32, #tpu.memory_space<hbm>>
          %dma_start3A_108 = tpu.memref_slice %arg5[%add3A_106] : memref<320000xi32, #tpu.memory_space<hbm>> -> memref<80xi32, #tpu.memory_space<hbm>>
          tpu.enqueue_dma source(%dma_start3A_108 : memref<80xi32, #tpu.memory_space<hbm>>) target(%arg12 : memref<80xi32, #tpu.memory_space<vmem>>) target_semaphore(%arg21 : memref<!tpu.dma_semaphore, #tpu.memory_space<semaphore_mem>>)
          %dma_start3A_109 = tpu.memref_slice %arg4[%add3A_106] : memref<320000xi32, #tpu.memory_space<hbm>> -> memref<80xi32, #tpu.memory_space<hbm>>
          %dma_start3A_110 = tpu.memref_slice %arg4[%add3A_106] : memref<320000xi32, #tpu.memory_space<hbm>> -> memref<80xi32, #tpu.memory_space<hbm>>
          tpu.enqueue_dma source(%dma_start3A_110 : memref<80xi32, #tpu.memory_space<hbm>>) target(%arg8 : memref<80xi32, #tpu.memory_space<vmem>>) target_semaphore(%arg21 : memref<!tpu.dma_semaphore, #tpu.memory_space<semaphore_mem>>)
        } else {
        }
        %ge3A = arith.constant 1 : i32
        %ge3A_86 = arith.cmpi sge, %add3A_56, %ge3A : i32
        %convert_element_type3A_87 = arith.extui %ge3A_86 : i1 to i32
        %cond3A_88 = arith.constant 0 : i32
        %cond3A_89 = arith.cmpi ne, %convert_element_type3A_87, %cond3A_88 : i32
        scf.if %cond3A_89 {
          %dma_wait3A_102 = arith.constant 0 : i32
          %dma_wait3A_103 = arith.constant 0 : i32
          %dma_wait3A_104 = tpu.memref_slice %arg20[%dma_wait3A_102, %dma_wait3A_103] : memref<10240x128xf32, #tpu.memory_space<vmem_shared>> -> memref<10240x128xf32, #tpu.memory_space<vmem_shared>>
          tpu.wait_indirect_dma semaphore(%arg30 : memref<!tpu.dma_semaphore, #tpu.memory_space<semaphore_mem>>) src(%arg19 : memref<80x128xf32, #tpu.memory_space<vmem>>) dst(%dma_wait3A_104 : memref<10240x128xf32, #tpu.memory_space<vmem_shared>>)
        } else {
        }
        %add3A_90 = arith.constant 1 : i32
        %add3A_91 = arith.addi %add3A_56, %add3A_90 : i32
        %lt3A_92 = arith.constant 125 : i32
        %lt3A_93 = arith.cmpi slt, %add3A_91, %lt3A_92 : i32
        %convert_element_type3A_94 = arith.extui %lt3A_93 : i1 to i32
        %cond3A_95 = arith.constant 0 : i32
        %cond3A_96 = arith.cmpi ne, %convert_element_type3A_94, %cond3A_95 : i32
        scf.if %cond3A_96 {
          %dma_wait3A_102 = arith.constant 0 : i32
          %dma_wait3A_103 = tpu.memref_slice %arg5[%dma_wait3A_102] : memref<320000xi32, #tpu.memory_space<hbm>> -> memref<80xi32, #tpu.memory_space<hbm>>
          %dma_wait3A_104 = arith.constant 0 : i32
          %dma_wait3A_105 = tpu.memref_slice %arg5[%dma_wait3A_104] : memref<320000xi32, #tpu.memory_space<hbm>> -> memref<80xi32, #tpu.memory_space<hbm>>
          tpu.wait_dma2 semaphore(%arg24 : memref<!tpu.dma_semaphore, #tpu.memory_space<semaphore_mem>>) src(%dma_wait3A_105 : memref<80xi32, #tpu.memory_space<hbm>>) dst(%arg15 : memref<80xi32, #tpu.memory_space<vmem>>)
          %dma_wait3A_106 = arith.constant 0 : i32
          %dma_wait3A_107 = tpu.memref_slice %arg4[%dma_wait3A_106] : memref<320000xi32, #tpu.memory_space<hbm>> -> memref<80xi32, #tpu.memory_space<hbm>>
          %dma_wait3A_108 = arith.constant 0 : i32
          %dma_wait3A_109 = tpu.memref_slice %arg4[%dma_wait3A_108] : memref<320000xi32, #tpu.memory_space<hbm>> -> memref<80xi32, #tpu.memory_space<hbm>>
          tpu.wait_dma2 semaphore(%arg24 : memref<!tpu.dma_semaphore, #tpu.memory_space<semaphore_mem>>) src(%dma_wait3A_109 : memref<80xi32, #tpu.memory_space<hbm>>) dst(%arg11 : memref<80xi32, #tpu.memory_space<vmem>>)
          %add3A_110 = arith.constant 1 : i32
          %add3A_111 = arith.addi %add3A_56, %add3A_110 : i32
          %dma_start3A_112 = arith.constant 0 : i32
          %dma_start3A_113 = arith.constant 0 : i32
          %dma_start3A_114 = tpu.memref_slice %arg3[%dma_start3A_112, %dma_start3A_113] : memref<10240x128xf32, #tpu.memory_space<hbm>> -> memref<10240x128xf32, #tpu.memory_space<hbm>>
          tpu.enqueue_indirect_dma source(%dma_start3A_114 : memref<10240x128xf32, #tpu.memory_space<hbm>>) target(%arg19 : memref<80x128xf32, #tpu.memory_space<vmem>>) offsets(%arg15 : memref<80xi32, #tpu.memory_space<vmem>>) semaphore(%arg28 : memref<!tpu.dma_semaphore, #tpu.memory_space<semaphore_mem>>)
          %mul3A_115 = arith.constant 80 : i32
          %mul3A_116 = arith.muli %add3A_111, %mul3A_115 : i32
          %add3A_117 = arith.addi %mul3A_2, %mul3A_116 : i32
          %dma_start3A_118 = arith.constant 0 : i32
          %dma_start3A_119 = tpu.memref_slice %arg2[%add3A_117, %dma_start3A_118] : memref<320000x128xf32, #tpu.memory_space<hbm>> -> memref<80x128xf32, #tpu.memory_space<hbm>>
          %dma_start3A_120 = arith.constant 0 : i32
          %dma_start3A_121 = tpu.memref_slice %arg2[%add3A_117, %dma_start3A_120] : memref<320000x128xf32, #tpu.memory_space<hbm>> -> memref<80x128xf32, #tpu.memory_space<hbm>>
          tpu.enqueue_dma source(%dma_start3A_121 : memref<80x128xf32, #tpu.memory_space<hbm>>) target(%arg17 : memref<80x128xf32, #tpu.memory_space<vmem>>) target_semaphore(%arg26 : memref<!tpu.dma_semaphore, #tpu.memory_space<semaphore_mem>>)
        } else {
        }
        %parallel_loop3A = arith.constant 0 : i32
        %parallel_loop3A_97 = arith.constant 80 : i32
        %parallel_loop3A_98 = arith.constant 1 : i32
        scf.for %parallel_loop3A_102 = %parallel_loop3A to %parallel_loop3A_97 step %parallel_loop3A_98  : i32 {
          %parallel_loop3A_103 = arith.index_cast %parallel_loop3A_102 : i32 to index
          %parallel_loop3A_104 = arith.constant 0 : index
          %parallel_loop3A_105 = tpu.vector_load %arg18[%parallel_loop3A_103, %parallel_loop3A_104] {strides = array<i32>} : memref<80x128xf32, #tpu.memory_space<vmem>>, vector<1x16xf32>,
          %parallel_loop3A_106 = vector.shape_cast %parallel_loop3A_105 : vector<1x16xf32> to vector<16xf32>
          %parallel_loop3A_107 = arith.index_cast %parallel_loop3A_102 : i32 to index
          %parallel_loop3A_108 = arith.constant 0 : index
          %parallel_loop3A_109 = tpu.vector_load %arg16[%parallel_loop3A_107, %parallel_loop3A_108] {strides = array<i32>} : memref<80x128xf32, #tpu.memory_space<vmem>>, vector<1x16xf32>,
          %parallel_loop3A_110 = vector.shape_cast %parallel_loop3A_109 : vector<1x16xf32> to vector<16xf32>
          %parallel_loop3A_111 = arith.mulf %parallel_loop3A_106, %parallel_loop3A_110 : vector<16xf32>
          %parallel_loop3A_112 = arith.index_cast %parallel_loop3A_102 : i32 to index
          %parallel_loop3A_113 = arith.constant 0 : index
          %parallel_loop3A_114 = tpu.vector_load %arg18[%parallel_loop3A_112, %parallel_loop3A_113] {strides = array<i32>} : memref<80x128xf32, #tpu.memory_space<vmem>>, vector<1x16xf32>,
          %parallel_loop3A_115 = vector.shape_cast %parallel_loop3A_114 : vector<1x16xf32> to vector<16xf32>
          %parallel_loop3A_116 = vector.shape_cast %parallel_loop3A_111 : vector<16xf32> to vector<1x16xf32>
          tpu.vector_store %arg18[%parallel_loop3A_112, %parallel_loop3A_113], %parallel_loop3A_116 {strides = array<i32>} : memref<80x128xf32, #tpu.memory_space<vmem>>, vector<1x16xf32>,
          %parallel_loop3A_117 = arith.index_cast %parallel_loop3A_102 : i32 to index
          %parallel_loop3A_118 = arith.constant 16 : index
          %parallel_loop3A_119 = tpu.vector_load %arg18[%parallel_loop3A_117, %parallel_loop3A_118] {strides = array<i32>} : memref<80x128xf32, #tpu.memory_space<vmem>>, vector<1x16xf32>,
          %parallel_loop3A_120 = vector.shape_cast %parallel_loop3A_119 : vector<1x16xf32> to vector<16xf32>
          %parallel_loop3A_121 = arith.index_cast %parallel_loop3A_102 : i32 to index
          %parallel_loop3A_122 = arith.constant 16 : index
          %parallel_loop3A_123 = tpu.vector_load %arg16[%parallel_loop3A_121, %parallel_loop3A_122] {strides = array<i32>} : memref<80x128xf32, #tpu.memory_space<vmem>>, vector<1x16xf32>,
          %parallel_loop3A_124 = vector.shape_cast %parallel_loop3A_123 : vector<1x16xf32> to vector<16xf32>
          %parallel_loop3A_125 = arith.mulf %parallel_loop3A_120, %parallel_loop3A_124 : vector<16xf32>
          %parallel_loop3A_126 = arith.index_cast %parallel_loop3A_102 : i32 to index
          %parallel_loop3A_127 = arith.constant 16 : index
          %parallel_loop3A_128 = tpu.vector_load %arg18[%parallel_loop3A_126, %parallel_loop3A_127] {strides = array<i32>} : memref<80x128xf32, #tpu.memory_space<vmem>>, vector<1x16xf32>,
          %parallel_loop3A_129 = vector.shape_cast %parallel_loop3A_128 : vector<1x16xf32> to vector<16xf32>
          %parallel_loop3A_130 = vector.shape_cast %parallel_loop3A_125 : vector<16xf32> to vector<1x16xf32>
          tpu.vector_store %arg18[%parallel_loop3A_126, %parallel_loop3A_127], %parallel_loop3A_130 {strides = array<i32>} : memref<80x128xf32, #tpu.memory_space<vmem>>, vector<1x16xf32>,
          %parallel_loop3A_131 = arith.index_cast %parallel_loop3A_102 : i32 to index
          %parallel_loop3A_132 = arith.constant 32 : index
          %parallel_loop3A_133 = tpu.vector_load %arg18[%parallel_loop3A_131, %parallel_loop3A_132] {strides = array<i32>} : memref<80x128xf32, #tpu.memory_space<vmem>>, vector<1x16xf32>,
          %parallel_loop3A_134 = vector.shape_cast %parallel_loop3A_133 : vector<1x16xf32> to vector<16xf32>
          %parallel_loop3A_135 = arith.index_cast %parallel_loop3A_102 : i32 to index
          %parallel_loop3A_136 = arith.constant 32 : index
          %parallel_loop3A_137 = tpu.vector_load %arg16[%parallel_loop3A_135, %parallel_loop3A_136] {strides = array<i32>} : memref<80x128xf32, #tpu.memory_space<vmem>>, vector<1x16xf32>,
          %parallel_loop3A_138 = vector.shape_cast %parallel_loop3A_137 : vector<1x16xf32> to vector<16xf32>
          %parallel_loop3A_139 = arith.mulf %parallel_loop3A_134, %parallel_loop3A_138 : vector<16xf32>
          %parallel_loop3A_140 = arith.index_cast %parallel_loop3A_102 : i32 to index
          %parallel_loop3A_141 = arith.constant 32 : index
          %parallel_loop3A_142 = tpu.vector_load %arg18[%parallel_loop3A_140, %parallel_loop3A_141] {strides = array<i32>} : memref<80x128xf32, #tpu.memory_space<vmem>>, vector<1x16xf32>,
          %parallel_loop3A_143 = vector.shape_cast %parallel_loop3A_142 : vector<1x16xf32> to vector<16xf32>
          %parallel_loop3A_144 = vector.shape_cast %parallel_loop3A_139 : vector<16xf32> to vector<1x16xf32>
          tpu.vector_store %arg18[%parallel_loop3A_140, %parallel_loop3A_141], %parallel_loop3A_144 {strides = array<i32>} : memref<80x128xf32, #tpu.memory_space<vmem>>, vector<1x16xf32>,
          %parallel_loop3A_145 = arith.index_cast %parallel_loop3A_102 : i32 to index
          %parallel_loop3A_146 = arith.constant 48 : index
          %parallel_loop3A_147 = tpu.vector_load %arg18[%parallel_loop3A_145, %parallel_loop3A_146] {strides = array<i32>} : memref<80x128xf32, #tpu.memory_space<vmem>>, vector<1x16xf32>,
          %parallel_loop3A_148 = vector.shape_cast %parallel_loop3A_147 : vector<1x16xf32> to vector<16xf32>
          %parallel_loop3A_149 = arith.index_cast %parallel_loop3A_102 : i32 to index
          %parallel_loop3A_150 = arith.constant 48 : index
          %parallel_loop3A_151 = tpu.vector_load %arg16[%parallel_loop3A_149, %parallel_loop3A_150] {strides = array<i32>} : memref<80x128xf32, #tpu.memory_space<vmem>>, vector<1x16xf32>,
          %parallel_loop3A_152 = vector.shape_cast %parallel_loop3A_151 : vector<1x16xf32> to vector<16xf32>
          %parallel_loop3A_153 = arith.mulf %parallel_loop3A_148, %parallel_loop3A_152 : vector<16xf32>
          %parallel_loop3A_154 = arith.index_cast %parallel_loop3A_102 : i32 to index
          %parallel_loop3A_155 = arith.constant 48 : index
          %parallel_loop3A_156 = tpu.vector_load %arg18[%parallel_loop3A_154, %parallel_loop3A_155] {strides = array<i32>} : memref<80x128xf32, #tpu.memory_space<vmem>>, vector<1x16xf32>,
          %parallel_loop3A_157 = vector.shape_cast %parallel_loop3A_156 : vector<1x16xf32> to vector<16xf32>
          %parallel_loop3A_158 = vector.shape_cast %parallel_loop3A_153 : vector<16xf32> to vector<1x16xf32>
          tpu.vector_store %arg18[%parallel_loop3A_154, %parallel_loop3A_155], %parallel_loop3A_158 {strides = array<i32>} : memref<80x128xf32, #tpu.memory_space<vmem>>, vector<1x16xf32>,
          %parallel_loop3A_159 = arith.index_cast %parallel_loop3A_102 : i32 to index
          %parallel_loop3A_160 = arith.constant 64 : index
          %parallel_loop3A_161 = tpu.vector_load %arg18[%parallel_loop3A_159, %parallel_loop3A_160] {strides = array<i32>} : memref<80x128xf32, #tpu.memory_space<vmem>>, vector<1x16xf32>,
          %parallel_loop3A_162 = vector.shape_cast %parallel_loop3A_161 : vector<1x16xf32> to vector<16xf32>
          %parallel_loop3A_163 = arith.index_cast %parallel_loop3A_102 : i32 to index
          %parallel_loop3A_164 = arith.constant 64 : index
          %parallel_loop3A_165 = tpu.vector_load %arg16[%parallel_loop3A_163, %parallel_loop3A_164] {strides = array<i32>} : memref<80x128xf32, #tpu.memory_space<vmem>>, vector<1x16xf32>,
          %parallel_loop3A_166 = vector.shape_cast %parallel_loop3A_165 : vector<1x16xf32> to vector<16xf32>
          %parallel_loop3A_167 = arith.mulf %parallel_loop3A_162, %parallel_loop3A_166 : vector<16xf32>
          %parallel_loop3A_168 = arith.index_cast %parallel_loop3A_102 : i32 to index
          %parallel_loop3A_169 = arith.constant 64 : index
          %parallel_loop3A_170 = tpu.vector_load %arg18[%parallel_loop3A_168, %parallel_loop3A_169] {strides = array<i32>} : memref<80x128xf32, #tpu.memory_space<vmem>>, vector<1x16xf32>,
          %parallel_loop3A_171 = vector.shape_cast %parallel_loop3A_170 : vector<1x16xf32> to vector<16xf32>
          %parallel_loop3A_172 = vector.shape_cast %parallel_loop3A_167 : vector<16xf32> to vector<1x16xf32>
          tpu.vector_store %arg18[%parallel_loop3A_168, %parallel_loop3A_169], %parallel_loop3A_172 {strides = array<i32>} : memref<80x128xf32, #tpu.memory_space<vmem>>, vector<1x16xf32>,
          %parallel_loop3A_173 = arith.index_cast %parallel_loop3A_102 : i32 to index
          %parallel_loop3A_174 = arith.constant 80 : index
          %parallel_loop3A_175 = tpu.vector_load %arg18[%parallel_loop3A_173, %parallel_loop3A_174] {strides = array<i32>} : memref<80x128xf32, #tpu.memory_space<vmem>>, vector<1x16xf32>,
          %parallel_loop3A_176 = vector.shape_cast %parallel_loop3A_175 : vector<1x16xf32> to vector<16xf32>
          %parallel_loop3A_177 = arith.index_cast %parallel_loop3A_102 : i32 to index
          %parallel_loop3A_178 = arith.constant 80 : index
          %parallel_loop3A_179 = tpu.vector_load %arg16[%parallel_loop3A_177, %parallel_loop3A_178] {strides = array<i32>} : memref<80x128xf32, #tpu.memory_space<vmem>>, vector<1x16xf32>,
          %parallel_loop3A_180 = vector.shape_cast %parallel_loop3A_179 : vector<1x16xf32> to vector<16xf32>
          %parallel_loop3A_181 = arith.mulf %parallel_loop3A_176, %parallel_loop3A_180 : vector<16xf32>
          %parallel_loop3A_182 = arith.index_cast %parallel_loop3A_102 : i32 to index
          %parallel_loop3A_183 = arith.constant 80 : index
          %parallel_loop3A_184 = tpu.vector_load %arg18[%parallel_loop3A_182, %parallel_loop3A_183] {strides = array<i32>} : memref<80x128xf32, #tpu.memory_space<vmem>>, vector<1x16xf32>,
          %parallel_loop3A_185 = vector.shape_cast %parallel_loop3A_184 : vector<1x16xf32> to vector<16xf32>
          %parallel_loop3A_186 = vector.shape_cast %parallel_loop3A_181 : vector<16xf32> to vector<1x16xf32>
          tpu.vector_store %arg18[%parallel_loop3A_182, %parallel_loop3A_183], %parallel_loop3A_186 {strides = array<i32>} : memref<80x128xf32, #tpu.memory_space<vmem>>, vector<1x16xf32>,
          %parallel_loop3A_187 = arith.index_cast %parallel_loop3A_102 : i32 to index
          %parallel_loop3A_188 = arith.constant 96 : index
          %parallel_loop3A_189 = tpu.vector_load %arg18[%parallel_loop3A_187, %parallel_loop3A_188] {strides = array<i32>} : memref<80x128xf32, #tpu.memory_space<vmem>>, vector<1x16xf32>,
          %parallel_loop3A_190 = vector.shape_cast %parallel_loop3A_189 : vector<1x16xf32> to vector<16xf32>
          %parallel_loop3A_191 = arith.index_cast %parallel_loop3A_102 : i32 to index
          %parallel_loop3A_192 = arith.constant 96 : index
          %parallel_loop3A_193 = tpu.vector_load %arg16[%parallel_loop3A_191, %parallel_loop3A_192] {strides = array<i32>} : memref<80x128xf32, #tpu.memory_space<vmem>>, vector<1x16xf32>,
          %parallel_loop3A_194 = vector.shape_cast %parallel_loop3A_193 : vector<1x16xf32> to vector<16xf32>
          %parallel_loop3A_195 = arith.mulf %parallel_loop3A_190, %parallel_loop3A_194 : vector<16xf32>
          %parallel_loop3A_196 = arith.index_cast %parallel_loop3A_102 : i32 to index
          %parallel_loop3A_197 = arith.constant 96 : index
          %parallel_loop3A_198 = tpu.vector_load %arg18[%parallel_loop3A_196, %parallel_loop3A_197] {strides = array<i32>} : memref<80x128xf32, #tpu.memory_space<vmem>>, vector<1x16xf32>,
          %parallel_loop3A_199 = vector.shape_cast %parallel_loop3A_198 : vector<1x16xf32> to vector<16xf32>
          %parallel_loop3A_200 = vector.shape_cast %parallel_loop3A_195 : vector<16xf32> to vector<1x16xf32>
          tpu.vector_store %arg18[%parallel_loop3A_196, %parallel_loop3A_197], %parallel_loop3A_200 {strides = array<i32>} : memref<80x128xf32, #tpu.memory_space<vmem>>, vector<1x16xf32>,
          %parallel_loop3A_201 = arith.index_cast %parallel_loop3A_102 : i32 to index
          %parallel_loop3A_202 = arith.constant 112 : index
          %parallel_loop3A_203 = tpu.vector_load %arg18[%parallel_loop3A_201, %parallel_loop3A_202] {strides = array<i32>} : memref<80x128xf32, #tpu.memory_space<vmem>>, vector<1x16xf32>,
          %parallel_loop3A_204 = vector.shape_cast %parallel_loop3A_203 : vector<1x16xf32> to vector<16xf32>
          %parallel_loop3A_205 = arith.index_cast %parallel_loop3A_102 : i32 to index
          %parallel_loop3A_206 = arith.constant 112 : index
          %parallel_loop3A_207 = tpu.vector_load %arg16[%parallel_loop3A_205, %parallel_loop3A_206] {strides = array<i32>} : memref<80x128xf32, #tpu.memory_space<vmem>>, vector<1x16xf32>,
          %parallel_loop3A_208 = vector.shape_cast %parallel_loop3A_207 : vector<1x16xf32> to vector<16xf32>
          %parallel_loop3A_209 = arith.mulf %parallel_loop3A_204, %parallel_loop3A_208 : vector<16xf32>
          %parallel_loop3A_210 = arith.index_cast %parallel_loop3A_102 : i32 to index
          %parallel_loop3A_211 = arith.constant 112 : index
          %parallel_loop3A_212 = tpu.vector_load %arg18[%parallel_loop3A_210, %parallel_loop3A_211] {strides = array<i32>} : memref<80x128xf32, #tpu.memory_space<vmem>>, vector<1x16xf32>,
          %parallel_loop3A_213 = vector.shape_cast %parallel_loop3A_212 : vector<1x16xf32> to vector<16xf32>
          %parallel_loop3A_214 = vector.shape_cast %parallel_loop3A_209 : vector<16xf32> to vector<1x16xf32>
          tpu.vector_store %arg18[%parallel_loop3A_210, %parallel_loop3A_211], %parallel_loop3A_214 {strides = array<i32>} : memref<80x128xf32, #tpu.memory_space<vmem>>, vector<1x16xf32>,
        } {sc.loop_unroll_factor = 4 : i64, sc.parallel_access}
        %dma_start3A_99 = arith.constant 0 : i32
        %dma_start3A_100 = arith.constant 0 : i32
        %dma_start3A_101 = tpu.memref_slice %arg20[%dma_start3A_99, %dma_start3A_100] : memref<10240x128xf32, #tpu.memory_space<vmem_shared>> -> memref<10240x128xf32, #tpu.memory_space<vmem_shared>>
        tpu.enqueue_indirect_dma source(%arg18 : memref<80x128xf32, #tpu.memory_space<vmem>>) target(%dma_start3A_101 : memref<10240x128xf32, #tpu.memory_space<vmem_shared>>) offsets(%arg10 : memref<80xi32, #tpu.memory_space<vmem>>) semaphore(%arg29 : memref<!tpu.dma_semaphore, #tpu.memory_space<semaphore_mem>>) {add = true}
      } else {
      }
      %add3A_62 = arith.constant 3 : i32
      %add3A_63 = arith.addi %mul3A_43, %add3A_62 : i32
      %lt3A_64 = arith.constant 125 : i32
      %lt3A_65 = arith.cmpi slt, %add3A_63, %lt3A_64 : i32
      %convert_element_type3A_66 = arith.extui %lt3A_65 : i1 to i32
      %cond3A_67 = arith.constant 0 : i32
      %cond3A_68 = arith.cmpi ne, %convert_element_type3A_66, %cond3A_67 : i32
      scf.if %cond3A_68 {
        %dma_wait3A_69 = arith.constant 0 : i32
        %dma_wait3A_70 = arith.constant 0 : i32
        %dma_wait3A_71 = tpu.memref_slice %arg3[%dma_wait3A_69, %dma_wait3A_70] : memref<10240x128xf32, #tpu.memory_space<hbm>> -> memref<10240x128xf32, #tpu.memory_space<hbm>>
        tpu.wait_indirect_dma semaphore(%arg28 : memref<!tpu.dma_semaphore, #tpu.memory_space<semaphore_mem>>) src(%dma_wait3A_71 : memref<10240x128xf32, #tpu.memory_space<hbm>>) dst(%arg19 : memref<80x128xf32, #tpu.memory_space<vmem>>)
        %mul3A_72 = arith.constant 80 : i32
        %mul3A_73 = arith.muli %add3A_63, %mul3A_72 : i32
        %add3A_74 = arith.addi %mul3A_2, %mul3A_73 : i32
        %dma_wait3A_75 = arith.constant 0 : i32
        %dma_wait3A_76 = tpu.memref_slice %arg2[%add3A_74, %dma_wait3A_75] : memref<320000x128xf32, #tpu.memory_space<hbm>> -> memref<80x128xf32, #tpu.memory_space<hbm>>
        %dma_wait3A_77 = arith.constant 0 : i32
        %dma_wait3A_78 = tpu.memref_slice %arg2[%add3A_74, %dma_wait3A_77] : memref<320000x128xf32, #tpu.memory_space<hbm>> -> memref<80x128xf32, #tpu.memory_space<hbm>>
        tpu.wait_dma2 semaphore(%arg26 : memref<!tpu.dma_semaphore, #tpu.memory_space<semaphore_mem>>) src(%dma_wait3A_78 : memref<80x128xf32, #tpu.memory_space<hbm>>) dst(%arg17 : memref<80x128xf32, #tpu.memory_space<vmem>>)
        %add3A_79 = arith.constant 2 : i32
        %add3A_80 = arith.addi %add3A_63, %add3A_79 : i32
        %lt3A_81 = arith.constant 125 : i32
        %lt3A_82 = arith.cmpi slt, %add3A_80, %lt3A_81 : i32
        %convert_element_type3A_83 = arith.extui %lt3A_82 : i1 to i32
        %cond3A_84 = arith.constant 0 : i32
        %cond3A_85 = arith.cmpi ne, %convert_element_type3A_83, %cond3A_84 : i32
        scf.if %cond3A_85 {
          %add3A_102 = arith.constant 2 : i32
          %add3A_103 = arith.addi %add3A_63, %add3A_102 : i32
          %mul3A_104 = arith.constant 80 : i32
          %mul3A_105 = arith.muli %add3A_103, %mul3A_104 : i32
          %add3A_106 = arith.addi %mul3A_2, %mul3A_105 : i32
          %dma_start3A_107 = tpu.memref_slice %arg5[%add3A_106] : memref<320000xi32, #tpu.memory_space<hbm>> -> memref<80xi32, #tpu.memory_space<hbm>>
          %dma_start3A_108 = tpu.memref_slice %arg5[%add3A_106] : memref<320000xi32, #tpu.memory_space<hbm>> -> memref<80xi32, #tpu.memory_space<hbm>>
          tpu.enqueue_dma source(%dma_start3A_108 : memref<80xi32, #tpu.memory_space<hbm>>) target(%arg13 : memref<80xi32, #tpu.memory_space<vmem>>) target_semaphore(%arg22 : memref<!tpu.dma_semaphore, #tpu.memory_space<semaphore_mem>>)
          %dma_start3A_109 = tpu.memref_slice %arg4[%add3A_106] : memref<320000xi32, #tpu.memory_space<hbm>> -> memref<80xi32, #tpu.memory_space<hbm>>
          %dma_start3A_110 = tpu.memref_slice %arg4[%add3A_106] : memref<320000xi32, #tpu.memory_space<hbm>> -> memref<80xi32, #tpu.memory_space<hbm>>
          tpu.enqueue_dma source(%dma_start3A_110 : memref<80xi32, #tpu.memory_space<hbm>>) target(%arg9 : memref<80xi32, #tpu.memory_space<vmem>>) target_semaphore(%arg22 : memref<!tpu.dma_semaphore, #tpu.memory_space<semaphore_mem>>)
        } else {
        }
        %ge3A = arith.constant 1 : i32
        %ge3A_86 = arith.cmpi sge, %add3A_63, %ge3A : i32
        %convert_element_type3A_87 = arith.extui %ge3A_86 : i1 to i32
        %cond3A_88 = arith.constant 0 : i32
        %cond3A_89 = arith.cmpi ne, %convert_element_type3A_87, %cond3A_88 : i32
        scf.if %cond3A_89 {
          %dma_wait3A_102 = arith.constant 0 : i32
          %dma_wait3A_103 = arith.constant 0 : i32
          %dma_wait3A_104 = tpu.memref_slice %arg20[%dma_wait3A_102, %dma_wait3A_103] : memref<10240x128xf32, #tpu.memory_space<vmem_shared>> -> memref<10240x128xf32, #tpu.memory_space<vmem_shared>>
          tpu.wait_indirect_dma semaphore(%arg29 : memref<!tpu.dma_semaphore, #tpu.memory_space<semaphore_mem>>) src(%arg18 : memref<80x128xf32, #tpu.memory_space<vmem>>) dst(%dma_wait3A_104 : memref<10240x128xf32, #tpu.memory_space<vmem_shared>>)
        } else {
        }
        %add3A_90 = arith.constant 1 : i32
        %add3A_91 = arith.addi %add3A_63, %add3A_90 : i32
        %lt3A_92 = arith.constant 125 : i32
        %lt3A_93 = arith.cmpi slt, %add3A_91, %lt3A_92 : i32
        %convert_element_type3A_94 = arith.extui %lt3A_93 : i1 to i32
        %cond3A_95 = arith.constant 0 : i32
        %cond3A_96 = arith.cmpi ne, %convert_element_type3A_94, %cond3A_95 : i32
        scf.if %cond3A_96 {
          %dma_wait3A_102 = arith.constant 0 : i32
          %dma_wait3A_103 = tpu.memref_slice %arg5[%dma_wait3A_102] : memref<320000xi32, #tpu.memory_space<hbm>> -> memref<80xi32, #tpu.memory_space<hbm>>
          %dma_wait3A_104 = arith.constant 0 : i32
          %dma_wait3A_105 = tpu.memref_slice %arg5[%dma_wait3A_104] : memref<320000xi32, #tpu.memory_space<hbm>> -> memref<80xi32, #tpu.memory_space<hbm>>
          tpu.wait_dma2 semaphore(%arg21 : memref<!tpu.dma_semaphore, #tpu.memory_space<semaphore_mem>>) src(%dma_wait3A_105 : memref<80xi32, #tpu.memory_space<hbm>>) dst(%arg12 : memref<80xi32, #tpu.memory_space<vmem>>)
          %dma_wait3A_106 = arith.constant 0 : i32
          %dma_wait3A_107 = tpu.memref_slice %arg4[%dma_wait3A_106] : memref<320000xi32, #tpu.memory_space<hbm>> -> memref<80xi32, #tpu.memory_space<hbm>>
          %dma_wait3A_108 = arith.constant 0 : i32
          %dma_wait3A_109 = tpu.memref_slice %arg4[%dma_wait3A_108] : memref<320000xi32, #tpu.memory_space<hbm>> -> memref<80xi32, #tpu.memory_space<hbm>>
          tpu.wait_dma2 semaphore(%arg21 : memref<!tpu.dma_semaphore, #tpu.memory_space<semaphore_mem>>) src(%dma_wait3A_109 : memref<80xi32, #tpu.memory_space<hbm>>) dst(%arg8 : memref<80xi32, #tpu.memory_space<vmem>>)
          %add3A_110 = arith.constant 1 : i32
          %add3A_111 = arith.addi %add3A_63, %add3A_110 : i32
          %dma_start3A_112 = arith.constant 0 : i32
          %dma_start3A_113 = arith.constant 0 : i32
          %dma_start3A_114 = tpu.memref_slice %arg3[%dma_start3A_112, %dma_start3A_113] : memref<10240x128xf32, #tpu.memory_space<hbm>> -> memref<10240x128xf32, #tpu.memory_space<hbm>>
          tpu.enqueue_indirect_dma source(%dma_start3A_114 : memref<10240x128xf32, #tpu.memory_space<hbm>>) target(%arg18 : memref<80x128xf32, #tpu.memory_space<vmem>>) offsets(%arg12 : memref<80xi32, #tpu.memory_space<vmem>>) semaphore(%arg27 : memref<!tpu.dma_semaphore, #tpu.memory_space<semaphore_mem>>)
          %mul3A_115 = arith.constant 80 : i32
          %mul3A_116 = arith.muli %add3A_111, %mul3A_115 : i32
          %add3A_117 = arith.addi %mul3A_2, %mul3A_116 : i32
          %dma_start3A_118 = arith.constant 0 : i32
          %dma_start3A_119 = tpu.memref_slice %arg2[%add3A_117, %dma_start3A_118] : memref<320000x128xf32, #tpu.memory_space<hbm>> -> memref<80x128xf32, #tpu.memory_space<hbm>>
          %dma_start3A_120 = arith.constant 0 : i32
          %dma_start3A_121 = tpu.memref_slice %arg2[%add3A_117, %dma_start3A_120] : memref<320000x128xf32, #tpu.memory_space<hbm>> -> memref<80x128xf32, #tpu.memory_space<hbm>>
          tpu.enqueue_dma source(%dma_start3A_121 : memref<80x128xf32, #tpu.memory_space<hbm>>) target(%arg16 : memref<80x128xf32, #tpu.memory_space<vmem>>) target_semaphore(%arg25 : memref<!tpu.dma_semaphore, #tpu.memory_space<semaphore_mem>>)
        } else {
        }
        %parallel_loop3A = arith.constant 0 : i32
        %parallel_loop3A_97 = arith.constant 80 : i32
        %parallel_loop3A_98 = arith.constant 1 : i32
        scf.for %parallel_loop3A_102 = %parallel_loop3A to %parallel_loop3A_97 step %parallel_loop3A_98  : i32 {
          %parallel_loop3A_103 = arith.index_cast %parallel_loop3A_102 : i32 to index
          %parallel_loop3A_104 = arith.constant 0 : index
          %parallel_loop3A_105 = tpu.vector_load %arg19[%parallel_loop3A_103, %parallel_loop3A_104] {strides = array<i32>} : memref<80x128xf32, #tpu.memory_space<vmem>>, vector<1x16xf32>,
          %parallel_loop3A_106 = vector.shape_cast %parallel_loop3A_105 : vector<1x16xf32> to vector<16xf32>
          %parallel_loop3A_107 = arith.index_cast %parallel_loop3A_102 : i32 to index
          %parallel_loop3A_108 = arith.constant 0 : index
          %parallel_loop3A_109 = tpu.vector_load %arg17[%parallel_loop3A_107, %parallel_loop3A_108] {strides = array<i32>} : memref<80x128xf32, #tpu.memory_space<vmem>>, vector<1x16xf32>,
          %parallel_loop3A_110 = vector.shape_cast %parallel_loop3A_109 : vector<1x16xf32> to vector<16xf32>
          %parallel_loop3A_111 = arith.mulf %parallel_loop3A_106, %parallel_loop3A_110 : vector<16xf32>
          %parallel_loop3A_112 = arith.index_cast %parallel_loop3A_102 : i32 to index
          %parallel_loop3A_113 = arith.constant 0 : index
          %parallel_loop3A_114 = tpu.vector_load %arg19[%parallel_loop3A_112, %parallel_loop3A_113] {strides = array<i32>} : memref<80x128xf32, #tpu.memory_space<vmem>>, vector<1x16xf32>,
          %parallel_loop3A_115 = vector.shape_cast %parallel_loop3A_114 : vector<1x16xf32> to vector<16xf32>
          %parallel_loop3A_116 = vector.shape_cast %parallel_loop3A_111 : vector<16xf32> to vector<1x16xf32>
          tpu.vector_store %arg19[%parallel_loop3A_112, %parallel_loop3A_113], %parallel_loop3A_116 {strides = array<i32>} : memref<80x128xf32, #tpu.memory_space<vmem>>, vector<1x16xf32>,
          %parallel_loop3A_117 = arith.index_cast %parallel_loop3A_102 : i32 to index
          %parallel_loop3A_118 = arith.constant 16 : index
          %parallel_loop3A_119 = tpu.vector_load %arg19[%parallel_loop3A_117, %parallel_loop3A_118] {strides = array<i32>} : memref<80x128xf32, #tpu.memory_space<vmem>>, vector<1x16xf32>,
          %parallel_loop3A_120 = vector.shape_cast %parallel_loop3A_119 : vector<1x16xf32> to vector<16xf32>
          %parallel_loop3A_121 = arith.index_cast %parallel_loop3A_102 : i32 to index
          %parallel_loop3A_122 = arith.constant 16 : index
          %parallel_loop3A_123 = tpu.vector_load %arg17[%parallel_loop3A_121, %parallel_loop3A_122] {strides = array<i32>} : memref<80x128xf32, #tpu.memory_space<vmem>>, vector<1x16xf32>,
          %parallel_loop3A_124 = vector.shape_cast %parallel_loop3A_123 : vector<1x16xf32> to vector<16xf32>
          %parallel_loop3A_125 = arith.mulf %parallel_loop3A_120, %parallel_loop3A_124 : vector<16xf32>
          %parallel_loop3A_126 = arith.index_cast %parallel_loop3A_102 : i32 to index
          %parallel_loop3A_127 = arith.constant 16 : index
          %parallel_loop3A_128 = tpu.vector_load %arg19[%parallel_loop3A_126, %parallel_loop3A_127] {strides = array<i32>} : memref<80x128xf32, #tpu.memory_space<vmem>>, vector<1x16xf32>,
          %parallel_loop3A_129 = vector.shape_cast %parallel_loop3A_128 : vector<1x16xf32> to vector<16xf32>
          %parallel_loop3A_130 = vector.shape_cast %parallel_loop3A_125 : vector<16xf32> to vector<1x16xf32>
          tpu.vector_store %arg19[%parallel_loop3A_126, %parallel_loop3A_127], %parallel_loop3A_130 {strides = array<i32>} : memref<80x128xf32, #tpu.memory_space<vmem>>, vector<1x16xf32>,
          %parallel_loop3A_131 = arith.index_cast %parallel_loop3A_102 : i32 to index
          %parallel_loop3A_132 = arith.constant 32 : index
          %parallel_loop3A_133 = tpu.vector_load %arg19[%parallel_loop3A_131, %parallel_loop3A_132] {strides = array<i32>} : memref<80x128xf32, #tpu.memory_space<vmem>>, vector<1x16xf32>,
          %parallel_loop3A_134 = vector.shape_cast %parallel_loop3A_133 : vector<1x16xf32> to vector<16xf32>
          %parallel_loop3A_135 = arith.index_cast %parallel_loop3A_102 : i32 to index
          %parallel_loop3A_136 = arith.constant 32 : index
          %parallel_loop3A_137 = tpu.vector_load %arg17[%parallel_loop3A_135, %parallel_loop3A_136] {strides = array<i32>} : memref<80x128xf32, #tpu.memory_space<vmem>>, vector<1x16xf32>,
          %parallel_loop3A_138 = vector.shape_cast %parallel_loop3A_137 : vector<1x16xf32> to vector<16xf32>
          %parallel_loop3A_139 = arith.mulf %parallel_loop3A_134, %parallel_loop3A_138 : vector<16xf32>
          %parallel_loop3A_140 = arith.index_cast %parallel_loop3A_102 : i32 to index
          %parallel_loop3A_141 = arith.constant 32 : index
          %parallel_loop3A_142 = tpu.vector_load %arg19[%parallel_loop3A_140, %parallel_loop3A_141] {strides = array<i32>} : memref<80x128xf32, #tpu.memory_space<vmem>>, vector<1x16xf32>,
          %parallel_loop3A_143 = vector.shape_cast %parallel_loop3A_142 : vector<1x16xf32> to vector<16xf32>
          %parallel_loop3A_144 = vector.shape_cast %parallel_loop3A_139 : vector<16xf32> to vector<1x16xf32>
          tpu.vector_store %arg19[%parallel_loop3A_140, %parallel_loop3A_141], %parallel_loop3A_144 {strides = array<i32>} : memref<80x128xf32, #tpu.memory_space<vmem>>, vector<1x16xf32>,
          %parallel_loop3A_145 = arith.index_cast %parallel_loop3A_102 : i32 to index
          %parallel_loop3A_146 = arith.constant 48 : index
          %parallel_loop3A_147 = tpu.vector_load %arg19[%parallel_loop3A_145, %parallel_loop3A_146] {strides = array<i32>} : memref<80x128xf32, #tpu.memory_space<vmem>>, vector<1x16xf32>,
          %parallel_loop3A_148 = vector.shape_cast %parallel_loop3A_147 : vector<1x16xf32> to vector<16xf32>
          %parallel_loop3A_149 = arith.index_cast %parallel_loop3A_102 : i32 to index
          %parallel_loop3A_150 = arith.constant 48 : index
          %parallel_loop3A_151 = tpu.vector_load %arg17[%parallel_loop3A_149, %parallel_loop3A_150] {strides = array<i32>} : memref<80x128xf32, #tpu.memory_space<vmem>>, vector<1x16xf32>,
          %parallel_loop3A_152 = vector.shape_cast %parallel_loop3A_151 : vector<1x16xf32> to vector<16xf32>
          %parallel_loop3A_153 = arith.mulf %parallel_loop3A_148, %parallel_loop3A_152 : vector<16xf32>
          %parallel_loop3A_154 = arith.index_cast %parallel_loop3A_102 : i32 to index
          %parallel_loop3A_155 = arith.constant 48 : index
          %parallel_loop3A_156 = tpu.vector_load %arg19[%parallel_loop3A_154, %parallel_loop3A_155] {strides = array<i32>} : memref<80x128xf32, #tpu.memory_space<vmem>>, vector<1x16xf32>,
          %parallel_loop3A_157 = vector.shape_cast %parallel_loop3A_156 : vector<1x16xf32> to vector<16xf32>
          %parallel_loop3A_158 = vector.shape_cast %parallel_loop3A_153 : vector<16xf32> to vector<1x16xf32>
          tpu.vector_store %arg19[%parallel_loop3A_154, %parallel_loop3A_155], %parallel_loop3A_158 {strides = array<i32>} : memref<80x128xf32, #tpu.memory_space<vmem>>, vector<1x16xf32>,
          %parallel_loop3A_159 = arith.index_cast %parallel_loop3A_102 : i32 to index
          %parallel_loop3A_160 = arith.constant 64 : index
          %parallel_loop3A_161 = tpu.vector_load %arg19[%parallel_loop3A_159, %parallel_loop3A_160] {strides = array<i32>} : memref<80x128xf32, #tpu.memory_space<vmem>>, vector<1x16xf32>,
          %parallel_loop3A_162 = vector.shape_cast %parallel_loop3A_161 : vector<1x16xf32> to vector<16xf32>
          %parallel_loop3A_163 = arith.index_cast %parallel_loop3A_102 : i32 to index
          %parallel_loop3A_164 = arith.constant 64 : index
          %parallel_loop3A_165 = tpu.vector_load %arg17[%parallel_loop3A_163, %parallel_loop3A_164] {strides = array<i32>} : memref<80x128xf32, #tpu.memory_space<vmem>>, vector<1x16xf32>,
          %parallel_loop3A_166 = vector.shape_cast %parallel_loop3A_165 : vector<1x16xf32> to vector<16xf32>
          %parallel_loop3A_167 = arith.mulf %parallel_loop3A_162, %parallel_loop3A_166 : vector<16xf32>
          %parallel_loop3A_168 = arith.index_cast %parallel_loop3A_102 : i32 to index
          %parallel_loop3A_169 = arith.constant 64 : index
          %parallel_loop3A_170 = tpu.vector_load %arg19[%parallel_loop3A_168, %parallel_loop3A_169] {strides = array<i32>} : memref<80x128xf32, #tpu.memory_space<vmem>>, vector<1x16xf32>,
          %parallel_loop3A_171 = vector.shape_cast %parallel_loop3A_170 : vector<1x16xf32> to vector<16xf32>
          %parallel_loop3A_172 = vector.shape_cast %parallel_loop3A_167 : vector<16xf32> to vector<1x16xf32>
          tpu.vector_store %arg19[%parallel_loop3A_168, %parallel_loop3A_169], %parallel_loop3A_172 {strides = array<i32>} : memref<80x128xf32, #tpu.memory_space<vmem>>, vector<1x16xf32>,
          %parallel_loop3A_173 = arith.index_cast %parallel_loop3A_102 : i32 to index
          %parallel_loop3A_174 = arith.constant 80 : index
          %parallel_loop3A_175 = tpu.vector_load %arg19[%parallel_loop3A_173, %parallel_loop3A_174] {strides = array<i32>} : memref<80x128xf32, #tpu.memory_space<vmem>>, vector<1x16xf32>,
          %parallel_loop3A_176 = vector.shape_cast %parallel_loop3A_175 : vector<1x16xf32> to vector<16xf32>
          %parallel_loop3A_177 = arith.index_cast %parallel_loop3A_102 : i32 to index
          %parallel_loop3A_178 = arith.constant 80 : index
          %parallel_loop3A_179 = tpu.vector_load %arg17[%parallel_loop3A_177, %parallel_loop3A_178] {strides = array<i32>} : memref<80x128xf32, #tpu.memory_space<vmem>>, vector<1x16xf32>,
          %parallel_loop3A_180 = vector.shape_cast %parallel_loop3A_179 : vector<1x16xf32> to vector<16xf32>
          %parallel_loop3A_181 = arith.mulf %parallel_loop3A_176, %parallel_loop3A_180 : vector<16xf32>
          %parallel_loop3A_182 = arith.index_cast %parallel_loop3A_102 : i32 to index
          %parallel_loop3A_183 = arith.constant 80 : index
          %parallel_loop3A_184 = tpu.vector_load %arg19[%parallel_loop3A_182, %parallel_loop3A_183] {strides = array<i32>} : memref<80x128xf32, #tpu.memory_space<vmem>>, vector<1x16xf32>,
          %parallel_loop3A_185 = vector.shape_cast %parallel_loop3A_184 : vector<1x16xf32> to vector<16xf32>
          %parallel_loop3A_186 = vector.shape_cast %parallel_loop3A_181 : vector<16xf32> to vector<1x16xf32>
          tpu.vector_store %arg19[%parallel_loop3A_182, %parallel_loop3A_183], %parallel_loop3A_186 {strides = array<i32>} : memref<80x128xf32, #tpu.memory_space<vmem>>, vector<1x16xf32>,
          %parallel_loop3A_187 = arith.index_cast %parallel_loop3A_102 : i32 to index
          %parallel_loop3A_188 = arith.constant 96 : index
          %parallel_loop3A_189 = tpu.vector_load %arg19[%parallel_loop3A_187, %parallel_loop3A_188] {strides = array<i32>} : memref<80x128xf32, #tpu.memory_space<vmem>>, vector<1x16xf32>,
          %parallel_loop3A_190 = vector.shape_cast %parallel_loop3A_189 : vector<1x16xf32> to vector<16xf32>
          %parallel_loop3A_191 = arith.index_cast %parallel_loop3A_102 : i32 to index
          %parallel_loop3A_192 = arith.constant 96 : index
          %parallel_loop3A_193 = tpu.vector_load %arg17[%parallel_loop3A_191, %parallel_loop3A_192] {strides = array<i32>} : memref<80x128xf32, #tpu.memory_space<vmem>>, vector<1x16xf32>,
          %parallel_loop3A_194 = vector.shape_cast %parallel_loop3A_193 : vector<1x16xf32> to vector<16xf32>
          %parallel_loop3A_195 = arith.mulf %parallel_loop3A_190, %parallel_loop3A_194 : vector<16xf32>
          %parallel_loop3A_196 = arith.index_cast %parallel_loop3A_102 : i32 to index
          %parallel_loop3A_197 = arith.constant 96 : index
          %parallel_loop3A_198 = tpu.vector_load %arg19[%parallel_loop3A_196, %parallel_loop3A_197] {strides = array<i32>} : memref<80x128xf32, #tpu.memory_space<vmem>>, vector<1x16xf32>,
          %parallel_loop3A_199 = vector.shape_cast %parallel_loop3A_198 : vector<1x16xf32> to vector<16xf32>
          %parallel_loop3A_200 = vector.shape_cast %parallel_loop3A_195 : vector<16xf32> to vector<1x16xf32>
          tpu.vector_store %arg19[%parallel_loop3A_196, %parallel_loop3A_197], %parallel_loop3A_200 {strides = array<i32>} : memref<80x128xf32, #tpu.memory_space<vmem>>, vector<1x16xf32>,
          %parallel_loop3A_201 = arith.index_cast %parallel_loop3A_102 : i32 to index
          %parallel_loop3A_202 = arith.constant 112 : index
          %parallel_loop3A_203 = tpu.vector_load %arg19[%parallel_loop3A_201, %parallel_loop3A_202] {strides = array<i32>} : memref<80x128xf32, #tpu.memory_space<vmem>>, vector<1x16xf32>,
          %parallel_loop3A_204 = vector.shape_cast %parallel_loop3A_203 : vector<1x16xf32> to vector<16xf32>
          %parallel_loop3A_205 = arith.index_cast %parallel_loop3A_102 : i32 to index
          %parallel_loop3A_206 = arith.constant 112 : index
          %parallel_loop3A_207 = tpu.vector_load %arg17[%parallel_loop3A_205, %parallel_loop3A_206] {strides = array<i32>} : memref<80x128xf32, #tpu.memory_space<vmem>>, vector<1x16xf32>,
          %parallel_loop3A_208 = vector.shape_cast %parallel_loop3A_207 : vector<1x16xf32> to vector<16xf32>
          %parallel_loop3A_209 = arith.mulf %parallel_loop3A_204, %parallel_loop3A_208 : vector<16xf32>
          %parallel_loop3A_210 = arith.index_cast %parallel_loop3A_102 : i32 to index
          %parallel_loop3A_211 = arith.constant 112 : index
          %parallel_loop3A_212 = tpu.vector_load %arg19[%parallel_loop3A_210, %parallel_loop3A_211] {strides = array<i32>} : memref<80x128xf32, #tpu.memory_space<vmem>>, vector<1x16xf32>,
          %parallel_loop3A_213 = vector.shape_cast %parallel_loop3A_212 : vector<1x16xf32> to vector<16xf32>
          %parallel_loop3A_214 = vector.shape_cast %parallel_loop3A_209 : vector<16xf32> to vector<1x16xf32>
          tpu.vector_store %arg19[%parallel_loop3A_210, %parallel_loop3A_211], %parallel_loop3A_214 {strides = array<i32>} : memref<80x128xf32, #tpu.memory_space<vmem>>, vector<1x16xf32>,
        } {sc.loop_unroll_factor = 4 : i64, sc.parallel_access}
        %dma_start3A_99 = arith.constant 0 : i32
        %dma_start3A_100 = arith.constant 0 : i32
        %dma_start3A_101 = tpu.memref_slice %arg20[%dma_start3A_99, %dma_start3A_100] : memref<10240x128xf32, #tpu.memory_space<vmem_shared>> -> memref<10240x128xf32, #tpu.memory_space<vmem_shared>>
        tpu.enqueue_indirect_dma source(%arg19 : memref<80x128xf32, #tpu.memory_space<vmem>>) target(%dma_start3A_101 : memref<10240x128xf32, #tpu.memory_space<vmem_shared>>) offsets(%arg11 : memref<80xi32, #tpu.memory_space<vmem>>) semaphore(%arg30 : memref<!tpu.dma_semaphore, #tpu.memory_space<semaphore_mem>>) {add = true}
      } else {
      }
    }
    %scan3A_36 = arith.constant 32 : i32
    %dma_wait3A_37 = arith.constant 0 : i32
    %dma_wait3A_38 = arith.constant 0 : i32
    %dma_wait3A_39 = tpu.memref_slice %arg20[%dma_wait3A_37, %dma_wait3A_38] : memref<10240x128xf32, #tpu.memory_space<vmem_shared>> -> memref<10240x128xf32, #tpu.memory_space<vmem_shared>>
    tpu.wait_indirect_dma semaphore(%arg29 : memref<!tpu.dma_semaphore, #tpu.memory_space<semaphore_mem>>) src(%arg18 : memref<80x128xf32, #tpu.memory_space<vmem>>) dst(%dma_wait3A_39 : memref<10240x128xf32, #tpu.memory_space<vmem_shared>>)
    %barrier3A_40 = arith.constant 0 : index
    tpu.barrier barrier_id(%barrier3A_40)
    "tpu.region"() ({
      %run_scoped3A = tpu.sem_alloc : memref<!tpu.dma_semaphore, #tpu.memory_space<semaphore_mem>>
      %dma_start3A_41 = arith.constant 0 : i32
      %dma_start3A_42 = tpu.memref_slice %arg7[%arg0, %mul3A_4, %dma_start3A_41] : memref<2x10240x128xf32, #tpu.memory_space<hbm>> -> memref<1x640x128xf32, #tpu.memory_space<hbm>>
      %dma_start3A_43 = tpu.memref_squeeze %dma_start3A_42 : memref<1x640x128xf32, #tpu.memory_space<hbm>> -> memref<640x128xf32, #tpu.memory_space<hbm>>
      %dma_start3A_44 = arith.constant 0 : i32
      %dma_start3A_45 = tpu.memref_slice %arg20[%mul3A_4, %dma_start3A_44] : memref<10240x128xf32, #tpu.memory_space<vmem_shared>> -> memref<640x128xf32, #tpu.memory_space<vmem_shared>>
      tpu.enqueue_dma source(%dma_start3A_45 : memref<640x128xf32, #tpu.memory_space<vmem_shared>>) target(%dma_start3A_43 : memref<640x128xf32, #tpu.memory_space<hbm>>) target_semaphore(%run_scoped3A : memref<!tpu.dma_semaphore, #tpu.memory_space<semaphore_mem>>)
      %dma_wait3A_46 = arith.constant 0 : i32
      %dma_wait3A_47 = tpu.memref_slice %arg7[%arg0, %mul3A_4, %dma_wait3A_46] : memref<2x10240x128xf32, #tpu.memory_space<hbm>> -> memref<1x640x128xf32, #tpu.memory_space<hbm>>
      %dma_wait3A_48 = tpu.memref_squeeze %dma_wait3A_47 : memref<1x640x128xf32, #tpu.memory_space<hbm>> -> memref<640x128xf32, #tpu.memory_space<hbm>>
      %dma_wait3A_49 = arith.constant 0 : i32
      %dma_wait3A_50 = tpu.memref_slice %arg20[%mul3A_4, %dma_wait3A_49] : memref<10240x128xf32, #tpu.memory_space<vmem_shared>> -> memref<640x128xf32, #tpu.memory_space<vmem_shared>>
      tpu.wait_dma2 semaphore(%run_scoped3A : memref<!tpu.dma_semaphore, #tpu.memory_space<semaphore_mem>>) src(%dma_wait3A_50 : memref<640x128xf32, #tpu.memory_space<vmem_shared>>) dst(%dma_wait3A_48 : memref<640x128xf32, #tpu.memory_space<hbm>>)
      tpu.yield
    }) : () -> ()
    return
  }
}

module attributes {stable_mosaic.version = 14 : i64} {
  func.func @_g_body(%arg0: i32, %arg1: memref<8000x64xf32, #tpu.memory_space<vmem>>, %arg2: memref<128x64xf32, #tpu.memory_space<vmem>>, %arg3: memref<10000x128xf32, #tpu.memory_space<vmem>>, %arg4: memref<128x128xf32, #tpu.memory_space<vmem>>, %arg5: memref<1x128xf32, #tpu.memory_space<vmem>>, %arg6: memref<128x128xf32, #tpu.memory_space<vmem>>, %arg7: memref<1x128xf32, #tpu.memory_space<vmem>>, %arg8: memref<8000x128xf32, #tpu.memory_space<vmem>>, %arg9: memref<10000x128xf32, #tpu.memory_space<vmem>>, %arg10: memref<10240x128xf32, #tpu.memory_space<vmem>>) attributes {dimension_semantics = [#tpu.dimension_semantics<arbitrary>], iteration_bounds = array<i64: 40>, scalar_prefetch = 0 : i64, scratch_operands = 0 : i64, tpu.core_type = #tpu.core_type<tc>, window_params = [{transform_indices = @transform_0, window_bounds = array<i64: 8000, 64>}, {pipeline_mode = #tpu.pipeline_mode<synchronous>, transform_indices = @transform_1, window_bounds = array<i64: 128, 64>}, {pipeline_mode = #tpu.pipeline_mode<synchronous>, transform_indices = @transform_2, window_bounds = array<i64: 10000, 128>}, {pipeline_mode = #tpu.pipeline_mode<synchronous>, transform_indices = @transform_3, window_bounds = array<i64: 128, 128>}, {pipeline_mode = #tpu.pipeline_mode<synchronous>, transform_indices = @transform_4, window_bounds = array<i64: 1, 128>}, {pipeline_mode = #tpu.pipeline_mode<synchronous>, transform_indices = @transform_5, window_bounds = array<i64: 128, 128>}, {pipeline_mode = #tpu.pipeline_mode<synchronous>, transform_indices = @transform_6, window_bounds = array<i64: 1, 128>}, {transform_indices = @transform_7, window_bounds = array<i64: 8000, 128>}, {pipeline_mode = #tpu.pipeline_mode<synchronous>, transform_indices = @transform_8, window_bounds = array<i64: 10000, 128>}, {pipeline_mode = #tpu.pipeline_mode<synchronous>, transform_indices = @transform_9, window_bounds = array<i64: 10240, 128>}]} {
    %get3A = arith.constant 0 : index
    %get3A_0 = arith.constant 0 : index
    %get3A_1 = vector.load %arg1[%get3A, %get3A_0] : memref<8000x64xf32, #tpu.memory_space<vmem>>, vector<8000x64xf32>
    %get3A_2 = arith.constant 0 : index
    %get3A_3 = arith.constant 0 : index
    %get3A_4 = vector.load %arg2[%get3A_2, %get3A_3] : memref<128x64xf32, #tpu.memory_space<vmem>>, vector<128x64xf32>
    %dot_general3A = arith.constant dense<0.000000e+00> : vector<8000x128xf32>
    %dot_general3A_5 = tpu.matmul %get3A_1, %get3A_4, %dot_general3A {dimension_numbers = #tpu.dot_dimension_numbers<[1], [1], [0], [0], [0, 0, 1, 0], [], []>, transpose_lhs_hint = false} : vector<8000x64xf32>, vector<128x64xf32>, vector<8000x128xf32> -> vector<8000x128xf32>
    %swap3A = arith.constant 0 : index
    %swap3A_6 = arith.constant 0 : index
    %swap3A_7 = vector.load %arg8[%swap3A, %swap3A_6] : memref<8000x128xf32, #tpu.memory_space<vmem>>, vector<8000x128xf32>
    tpu.vector_store %arg8[%swap3A, %swap3A_6], %dot_general3A_5 {strides = array<i32>} : memref<8000x128xf32, #tpu.memory_space<vmem>>, vector<8000x128xf32>,
    %eq3A = arith.constant 0 : i32
    %eq3A_8 = arith.cmpi eq, %arg0, %eq3A : i32
    %convert_element_type3A = arith.extui %eq3A_8 : i1 to i32
    %cond3A = arith.constant 0 : i32
    %cond3A_9 = arith.cmpi ne, %convert_element_type3A, %cond3A : i32
    scf.if %cond3A_9 {
      %get3A_10 = arith.constant 0 : index
      %get3A_11 = arith.constant 0 : index
      %get3A_12 = vector.load %arg3[%get3A_10, %get3A_11] : memref<10000x128xf32, #tpu.memory_space<vmem>>, vector<10000x128xf32>
      %get3A_13 = arith.constant 0 : index
      %get3A_14 = arith.constant 0 : index
      %get3A_15 = vector.load %arg4[%get3A_13, %get3A_14] : memref<128x128xf32, #tpu.memory_space<vmem>>, vector<128x128xf32>
      %dot_general3A_16 = arith.constant dense<0.000000e+00> : vector<10000x128xf32>
      %dot_general3A_17 = tpu.matmul %get3A_12, %get3A_15, %dot_general3A_16 {dimension_numbers = #tpu.dot_dimension_numbers<[1], [1], [0], [0], [0, 0, 1, 0], [], []>, transpose_lhs_hint = false} : vector<10000x128xf32>, vector<128x128xf32>, vector<10000x128xf32> -> vector<10000x128xf32>
      %get3A_18 = arith.constant 0 : index
      %get3A_19 = arith.constant 0 : index
      %get3A_20 = vector.load %arg5[%get3A_18, %get3A_19] : memref<1x128xf32, #tpu.memory_space<vmem>>, vector<1x128xf32>
      %add3A = vector.broadcast %get3A_20 : vector<1x128xf32> to vector<10000x128xf32>
      %add3A_21 = arith.addf %dot_general3A_17, %add3A : vector<10000x128xf32>
      %swap3A_22 = arith.constant 0 : index
      %swap3A_23 = arith.constant 0 : index
      %swap3A_24 = vector.load %arg9[%swap3A_22, %swap3A_23] : memref<10000x128xf32, #tpu.memory_space<vmem>>, vector<10000x128xf32>
      tpu.vector_store %arg9[%swap3A_22, %swap3A_23], %add3A_21 {strides = array<i32>} : memref<10000x128xf32, #tpu.memory_space<vmem>>, vector<10000x128xf32>,
      %get3A_25 = arith.constant 0 : index
      %get3A_26 = arith.constant 0 : index
      %get3A_27 = vector.load %arg6[%get3A_25, %get3A_26] : memref<128x128xf32, #tpu.memory_space<vmem>>, vector<128x128xf32>
      %dot_general3A_28 = arith.constant dense<0.000000e+00> : vector<10000x128xf32>
      %dot_general3A_29 = tpu.matmul %get3A_12, %get3A_27, %dot_general3A_28 {dimension_numbers = #tpu.dot_dimension_numbers<[1], [1], [0], [0], [0, 0, 1, 0], [], []>, transpose_lhs_hint = false} : vector<10000x128xf32>, vector<128x128xf32>, vector<10000x128xf32> -> vector<10000x128xf32>
      %get3A_30 = arith.constant 0 : index
      %get3A_31 = arith.constant 0 : index
      %get3A_32 = vector.load %arg7[%get3A_30, %get3A_31] : memref<1x128xf32, #tpu.memory_space<vmem>>, vector<1x128xf32>
      %add3A_33 = vector.broadcast %get3A_32 : vector<1x128xf32> to vector<10000x128xf32>
      %add3A_34 = arith.addf %dot_general3A_29, %add3A_33 : vector<10000x128xf32>
      %swap3A_35 = arith.constant 0 : index
      %swap3A_36 = arith.constant 0 : index
      %swap3A_37 = vector.load %arg10[%swap3A_35, %swap3A_36] : memref<10240x128xf32, #tpu.memory_space<vmem>>, vector<10000x128xf32>
      tpu.vector_store %arg10[%swap3A_35, %swap3A_36], %add3A_34 {strides = array<i32>} : memref<10240x128xf32, #tpu.memory_space<vmem>>, vector<10000x128xf32>,
      %broadcast_in_dim3A = arith.constant 0.000000e+00 : f32
      %broadcast_in_dim3A_38 = vector.broadcast %broadcast_in_dim3A : f32 to vector<240x128xf32>
      %swap3A_39 = arith.constant 10000 : index
      %swap3A_40 = arith.constant 0 : index
      %swap3A_41 = vector.load %arg10[%swap3A_39, %swap3A_40] : memref<10240x128xf32, #tpu.memory_space<vmem>>, vector<240x128xf32>
      tpu.vector_store %arg10[%swap3A_39, %swap3A_40], %broadcast_in_dim3A_38 {strides = array<i32>} : memref<10240x128xf32, #tpu.memory_space<vmem>>, vector<240x128xf32>,
    } else {
    }
    return
  }
  func.func @transform_0(%arg0: i32) -> (i32, i32) {
    %c0_i32 = arith.constant 0 : i32
    %c0_i32_0 = arith.constant 0 : i32
    return %arg0, %c0_i32 : i32, i32
  }
  func.func @transform_1(%arg0: i32) -> (i32, i32) {
    %c0_i32 = arith.constant 0 : i32
    %c0_i32_0 = arith.constant 0 : i32
    %c0_i32_1 = arith.constant 0 : i32
    return %c0_i32, %c0_i32_0 : i32, i32
  }
  func.func @transform_2(%arg0: i32) -> (i32, i32) {
    %c0_i32 = arith.constant 0 : i32
    %c0_i32_0 = arith.constant 0 : i32
    %c0_i32_1 = arith.constant 0 : i32
    return %c0_i32, %c0_i32_0 : i32, i32
  }
  func.func @transform_3(%arg0: i32) -> (i32, i32) {
    %c0_i32 = arith.constant 0 : i32
    %c0_i32_0 = arith.constant 0 : i32
    %c0_i32_1 = arith.constant 0 : i32
    return %c0_i32, %c0_i32_0 : i32, i32
  }
  func.func @transform_4(%arg0: i32) -> (i32, i32) {
    %c0_i32 = arith.constant 0 : i32
    %c0_i32_0 = arith.constant 0 : i32
    %c0_i32_1 = arith.constant 0 : i32
    return %c0_i32, %c0_i32_0 : i32, i32
  }
  func.func @transform_5(%arg0: i32) -> (i32, i32) {
    %c0_i32 = arith.constant 0 : i32
    %c0_i32_0 = arith.constant 0 : i32
    %c0_i32_1 = arith.constant 0 : i32
    return %c0_i32, %c0_i32_0 : i32, i32
  }
  func.func @transform_6(%arg0: i32) -> (i32, i32) {
    %c0_i32 = arith.constant 0 : i32
    %c0_i32_0 = arith.constant 0 : i32
    %c0_i32_1 = arith.constant 0 : i32
    return %c0_i32, %c0_i32_0 : i32, i32
  }
  func.func @transform_7(%arg0: i32) -> (i32, i32) {
    %c0_i32 = arith.constant 0 : i32
    %c0_i32_0 = arith.constant 0 : i32
    return %arg0, %c0_i32 : i32, i32
  }
  func.func @transform_8(%arg0: i32) -> (i32, i32) {
    %c0_i32 = arith.constant 0 : i32
    %c0_i32_0 = arith.constant 0 : i32
    %c0_i32_1 = arith.constant 0 : i32
    return %c0_i32, %c0_i32_0 : i32, i32
  }
  func.func @transform_9(%arg0: i32) -> (i32, i32) {
    %c0_i32 = arith.constant 0 : i32
    %c0_i32_0 = arith.constant 0 : i32
    %c0_i32_1 = arith.constant 0 : i32
    return %c0_i32, %c0_i32_0 : i32, i32
  }
}

module attributes {stable_mosaic.version = 14 : i64} {
  func.func @_fin_body(%arg0: i32, %arg1: memref<2000x128xf32, #tpu.memory_space<vmem>>, %arg2: memref<2000x128xf32, #tpu.memory_space<vmem>>, %arg3: memref<2x2000x128xf32, #tpu.memory_space<vmem>>, %arg4: memref<128x128xf32, #tpu.memory_space<vmem>>, %arg5: memref<1x128xf32, #tpu.memory_space<vmem>>, %arg6: memref<128x128xf32, #tpu.memory_space<vmem>>, %arg7: memref<1x128xf32, #tpu.memory_space<vmem>>, %arg8: memref<128x128xf32, #tpu.memory_space<vmem>>, %arg9: memref<1x128xf32, #tpu.memory_space<vmem>>, %arg10: memref<128x128xf32, #tpu.memory_space<vmem>>, %arg11: memref<1x128xf32, #tpu.memory_space<vmem>>, %arg12: memref<128x128xf32, #tpu.memory_space<vmem>>, %arg13: memref<1x128xf32, #tpu.memory_space<vmem>>, %arg14: memref<1x128xf32, #tpu.memory_space<vmem>>, %arg15: memref<2000x128xf32, #tpu.memory_space<vmem>>) attributes {dimension_semantics = [#tpu.dimension_semantics<arbitrary>], iteration_bounds = array<i64: 5>, scalar_prefetch = 0 : i64, scratch_operands = 0 : i64, tpu.core_type = #tpu.core_type<tc>, window_params = [{transform_indices = @transform_0, window_bounds = array<i64: 2000, 128>}, {transform_indices = @transform_1, window_bounds = array<i64: 2000, 128>}, {transform_indices = @transform_2, window_bounds = array<i64: 2, 2000, 128>}, {pipeline_mode = #tpu.pipeline_mode<synchronous>, transform_indices = @transform_3, window_bounds = array<i64: 128, 128>}, {pipeline_mode = #tpu.pipeline_mode<synchronous>, transform_indices = @transform_4, window_bounds = array<i64: 1, 128>}, {pipeline_mode = #tpu.pipeline_mode<synchronous>, transform_indices = @transform_5, window_bounds = array<i64: 128, 128>}, {pipeline_mode = #tpu.pipeline_mode<synchronous>, transform_indices = @transform_6, window_bounds = array<i64: 1, 128>}, {pipeline_mode = #tpu.pipeline_mode<synchronous>, transform_indices = @transform_7, window_bounds = array<i64: 128, 128>}, {pipeline_mode = #tpu.pipeline_mode<synchronous>, transform_indices = @transform_8, window_bounds = array<i64: 1, 128>}, {pipeline_mode = #tpu.pipeline_mode<synchronous>, transform_indices = @transform_9, window_bounds = array<i64: 128, 128>}, {pipeline_mode = #tpu.pipeline_mode<synchronous>, transform_indices = @transform_10, window_bounds = array<i64: 1, 128>}, {pipeline_mode = #tpu.pipeline_mode<synchronous>, transform_indices = @transform_11, window_bounds = array<i64: 128, 128>}, {pipeline_mode = #tpu.pipeline_mode<synchronous>, transform_indices = @transform_12, window_bounds = array<i64: 1, 128>}, {pipeline_mode = #tpu.pipeline_mode<synchronous>, transform_indices = @transform_13, window_bounds = array<i64: 1, 128>}, {transform_indices = @transform_14, window_bounds = array<i64: 2000, 128>}]} {
    %get3A = arith.constant 0 : index
    %get3A_0 = arith.constant 0 : index
    %get3A_1 = vector.load %arg2[%get3A, %get3A_0] : memref<2000x128xf32, #tpu.memory_space<vmem>>, vector<2000x128xf32>
    %get3A_2 = arith.constant 0 : index
    %get3A_3 = arith.constant 0 : index
    %get3A_4 = arith.constant 0 : index
    %get3A_5 = vector.load %arg3[%get3A_2, %get3A_3, %get3A_4] : memref<2x2000x128xf32, #tpu.memory_space<vmem>>, vector<1x2000x128xf32>
    %get3A_6 = vector.shape_cast %get3A_5 : vector<1x2000x128xf32> to vector<2000x128xf32>
    %add3A = arith.addf %get3A_1, %get3A_6 : vector<2000x128xf32>
    %get3A_7 = arith.constant 1 : index
    %get3A_8 = arith.constant 0 : index
    %get3A_9 = arith.constant 0 : index
    %get3A_10 = vector.load %arg3[%get3A_7, %get3A_8, %get3A_9] : memref<2x2000x128xf32, #tpu.memory_space<vmem>>, vector<1x2000x128xf32>
    %get3A_11 = vector.shape_cast %get3A_10 : vector<1x2000x128xf32> to vector<2000x128xf32>
    %add3A_12 = arith.addf %add3A, %get3A_11 : vector<2000x128xf32>
    %get3A_13 = arith.constant 0 : index
    %get3A_14 = arith.constant 0 : index
    %get3A_15 = vector.load %arg4[%get3A_13, %get3A_14] : memref<128x128xf32, #tpu.memory_space<vmem>>, vector<128x128xf32>
    %dot_general3A = arith.constant dense<0.000000e+00> : vector<2000x128xf32>
    %dot_general3A_16 = tpu.matmul %add3A_12, %get3A_15, %dot_general3A {dimension_numbers = #tpu.dot_dimension_numbers<[1], [1], [0], [0], [0, 0, 1, 0], [], []>, transpose_lhs_hint = false} : vector<2000x128xf32>, vector<128x128xf32>, vector<2000x128xf32> -> vector<2000x128xf32>
    %get3A_17 = arith.constant 0 : index
    %get3A_18 = arith.constant 0 : index
    %get3A_19 = vector.load %arg5[%get3A_17, %get3A_18] : memref<1x128xf32, #tpu.memory_space<vmem>>, vector<1x128xf32>
    %add3A_20 = vector.broadcast %get3A_19 : vector<1x128xf32> to vector<2000x128xf32>
    %add3A_21 = arith.addf %dot_general3A_16, %add3A_20 : vector<2000x128xf32>
    %get3A_22 = arith.constant 0 : index
    %get3A_23 = arith.constant 0 : index
    %get3A_24 = vector.load %arg6[%get3A_22, %get3A_23] : memref<128x128xf32, #tpu.memory_space<vmem>>, vector<128x128xf32>
    %dot_general3A_25 = arith.constant dense<0.000000e+00> : vector<2000x128xf32>
    %dot_general3A_26 = tpu.matmul %add3A_21, %get3A_24, %dot_general3A_25 {dimension_numbers = #tpu.dot_dimension_numbers<[1], [1], [0], [0], [0, 0, 1, 0], [], []>, transpose_lhs_hint = false} : vector<2000x128xf32>, vector<128x128xf32>, vector<2000x128xf32> -> vector<2000x128xf32>
    %add3A_27 = arith.addf %add3A_12, %dot_general3A_26 : vector<2000x128xf32>
    %get3A_28 = arith.constant 0 : index
    %get3A_29 = arith.constant 0 : index
    %get3A_30 = vector.load %arg7[%get3A_28, %get3A_29] : memref<1x128xf32, #tpu.memory_space<vmem>>, vector<1x128xf32>
    %add3A_31 = vector.broadcast %get3A_30 : vector<1x128xf32> to vector<2000x128xf32>
    %add3A_32 = arith.addf %add3A_27, %add3A_31 : vector<2000x128xf32>
    %get3A_33 = arith.constant 0 : index
    %get3A_34 = arith.constant 0 : index
    %get3A_35 = vector.load %arg8[%get3A_33, %get3A_34] : memref<128x128xf32, #tpu.memory_space<vmem>>, vector<128x128xf32>
    %dot_general3A_36 = arith.constant dense<0.000000e+00> : vector<2000x128xf32>
    %dot_general3A_37 = tpu.matmul %add3A_32, %get3A_35, %dot_general3A_36 {dimension_numbers = #tpu.dot_dimension_numbers<[1], [1], [0], [0], [0, 0, 1, 0], [], []>, transpose_lhs_hint = false} : vector<2000x128xf32>, vector<128x128xf32>, vector<2000x128xf32> -> vector<2000x128xf32>
    %get3A_38 = arith.constant 0 : index
    %get3A_39 = arith.constant 0 : index
    %get3A_40 = vector.load %arg9[%get3A_38, %get3A_39] : memref<1x128xf32, #tpu.memory_space<vmem>>, vector<1x128xf32>
    %add3A_41 = vector.broadcast %get3A_40 : vector<1x128xf32> to vector<2000x128xf32>
    %add3A_42 = arith.addf %dot_general3A_37, %add3A_41 : vector<2000x128xf32>
    %get3A_43 = arith.constant 0 : index
    %get3A_44 = arith.constant 0 : index
    %get3A_45 = vector.load %arg10[%get3A_43, %get3A_44] : memref<128x128xf32, #tpu.memory_space<vmem>>, vector<128x128xf32>
    %dot_general3A_46 = arith.constant dense<0.000000e+00> : vector<2000x128xf32>
    %dot_general3A_47 = tpu.matmul %add3A_42, %get3A_45, %dot_general3A_46 {dimension_numbers = #tpu.dot_dimension_numbers<[1], [1], [0], [0], [0, 0, 1, 0], [], []>, transpose_lhs_hint = false} : vector<2000x128xf32>, vector<128x128xf32>, vector<2000x128xf32> -> vector<2000x128xf32>
    %add3A_48 = arith.addf %add3A_32, %dot_general3A_47 : vector<2000x128xf32>
    %get3A_49 = arith.constant 0 : index
    %get3A_50 = arith.constant 0 : index
    %get3A_51 = vector.load %arg11[%get3A_49, %get3A_50] : memref<1x128xf32, #tpu.memory_space<vmem>>, vector<1x128xf32>
    %add3A_52 = vector.broadcast %get3A_51 : vector<1x128xf32> to vector<2000x128xf32>
    %add3A_53 = arith.addf %add3A_48, %add3A_52 : vector<2000x128xf32>
    %get3A_54 = arith.constant 0 : index
    %get3A_55 = arith.constant 0 : index
    %get3A_56 = vector.load %arg14[%get3A_54, %get3A_55] : memref<1x128xf32, #tpu.memory_space<vmem>>, vector<1x128xf32>
    %get3A_57 = arith.constant 0 : index
    %get3A_58 = arith.constant 0 : index
    %get3A_59 = vector.load %arg1[%get3A_57, %get3A_58] : memref<2000x128xf32, #tpu.memory_space<vmem>>, vector<2000x128xf32>
    %mul3A = vector.broadcast %get3A_56 : vector<1x128xf32> to vector<2000x128xf32>
    %mul3A_60 = arith.mulf %mul3A, %get3A_59 : vector<2000x128xf32>
    %get3A_61 = arith.constant 0 : index
    %get3A_62 = arith.constant 0 : index
    %get3A_63 = vector.load %arg12[%get3A_61, %get3A_62] : memref<128x128xf32, #tpu.memory_space<vmem>>, vector<128x128xf32>
    %dot_general3A_64 = arith.constant dense<0.000000e+00> : vector<2000x128xf32>
    %dot_general3A_65 = tpu.matmul %add3A_53, %get3A_63, %dot_general3A_64 {dimension_numbers = #tpu.dot_dimension_numbers<[1], [1], [0], [0], [0, 0, 1, 0], [], []>, transpose_lhs_hint = false} : vector<2000x128xf32>, vector<128x128xf32>, vector<2000x128xf32> -> vector<2000x128xf32>
    %add3A_66 = arith.addf %mul3A_60, %dot_general3A_65 : vector<2000x128xf32>
    %get3A_67 = arith.constant 0 : index
    %get3A_68 = arith.constant 0 : index
    %get3A_69 = vector.load %arg13[%get3A_67, %get3A_68] : memref<1x128xf32, #tpu.memory_space<vmem>>, vector<1x128xf32>
    %add3A_70 = vector.broadcast %get3A_69 : vector<1x128xf32> to vector<2000x128xf32>
    %add3A_71 = arith.addf %add3A_66, %add3A_70 : vector<2000x128xf32>
    %swap3A = arith.constant 0 : index
    %swap3A_72 = arith.constant 0 : index
    %swap3A_73 = vector.load %arg15[%swap3A, %swap3A_72] : memref<2000x128xf32, #tpu.memory_space<vmem>>, vector<2000x128xf32>
    tpu.vector_store %arg15[%swap3A, %swap3A_72], %add3A_71 {strides = array<i32>} : memref<2000x128xf32, #tpu.memory_space<vmem>>, vector<2000x128xf32>,
    return
  }
  func.func @transform_0(%arg0: i32) -> (i32, i32) {
    %c0_i32 = arith.constant 0 : i32
    %c0_i32_0 = arith.constant 0 : i32
    return %arg0, %c0_i32 : i32, i32
  }
  func.func @transform_1(%arg0: i32) -> (i32, i32) {
    %c0_i32 = arith.constant 0 : i32
    %c0_i32_0 = arith.constant 0 : i32
    return %arg0, %c0_i32 : i32, i32
  }
  func.func @transform_2(%arg0: i32) -> (i32, i32, i32) {
    %c0_i32 = arith.constant 0 : i32
    %c0_i32_0 = arith.constant 0 : i32
    %c0_i32_1 = arith.constant 0 : i32
    return %c0_i32, %arg0, %c0_i32_0 : i32, i32, i32
  }
  func.func @transform_3(%arg0: i32) -> (i32, i32) {
    %c0_i32 = arith.constant 0 : i32
    %c0_i32_0 = arith.constant 0 : i32
    %c0_i32_1 = arith.constant 0 : i32
    return %c0_i32, %c0_i32_0 : i32, i32
  }
  func.func @transform_4(%arg0: i32) -> (i32, i32) {
    %c0_i32 = arith.constant 0 : i32
    %c0_i32_0 = arith.constant 0 : i32
    %c0_i32_1 = arith.constant 0 : i32
    return %c0_i32, %c0_i32_0 : i32, i32
  }
  func.func @transform_5(%arg0: i32) -> (i32, i32) {
    %c0_i32 = arith.constant 0 : i32
    %c0_i32_0 = arith.constant 0 : i32
    %c0_i32_1 = arith.constant 0 : i32
    return %c0_i32, %c0_i32_0 : i32, i32
  }
  func.func @transform_6(%arg0: i32) -> (i32, i32) {
    %c0_i32 = arith.constant 0 : i32
    %c0_i32_0 = arith.constant 0 : i32
    %c0_i32_1 = arith.constant 0 : i32
    return %c0_i32, %c0_i32_0 : i32, i32
  }
  func.func @transform_7(%arg0: i32) -> (i32, i32) {
    %c0_i32 = arith.constant 0 : i32
    %c0_i32_0 = arith.constant 0 : i32
    %c0_i32_1 = arith.constant 0 : i32
    return %c0_i32, %c0_i32_0 : i32, i32
  }
  func.func @transform_8(%arg0: i32) -> (i32, i32) {
    %c0_i32 = arith.constant 0 : i32
    %c0_i32_0 = arith.constant 0 : i32
    %c0_i32_1 = arith.constant 0 : i32
    return %c0_i32, %c0_i32_0 : i32, i32
  }
  func.func @transform_9(%arg0: i32) -> (i32, i32) {
    %c0_i32 = arith.constant 0 : i32
    %c0_i32_0 = arith.constant 0 : i32
    %c0_i32_1 = arith.constant 0 : i32
    return %c0_i32, %c0_i32_0 : i32, i32
  }
  func.func @transform_10(%arg0: i32) -> (i32, i32) {
    %c0_i32 = arith.constant 0 : i32
    %c0_i32_0 = arith.constant 0 : i32
    %c0_i32_1 = arith.constant 0 : i32
    return %c0_i32, %c0_i32_0 : i32, i32
  }
  func.func @transform_11(%arg0: i32) -> (i32, i32) {
    %c0_i32 = arith.constant 0 : i32
    %c0_i32_0 = arith.constant 0 : i32
    %c0_i32_1 = arith.constant 0 : i32
    return %c0_i32, %c0_i32_0 : i32, i32
  }
  func.func @transform_12(%arg0: i32) -> (i32, i32) {
    %c0_i32 = arith.constant 0 : i32
    %c0_i32_0 = arith.constant 0 : i32
    %c0_i32_1 = arith.constant 0 : i32
    return %c0_i32, %c0_i32_0 : i32, i32
  }
  func.func @transform_13(%arg0: i32) -> (i32, i32) {
    %c0_i32 = arith.constant 0 : i32
    %c0_i32_0 = arith.constant 0 : i32
    %c0_i32_1 = arith.constant 0 : i32
    return %c0_i32, %c0_i32_0 : i32, i32
  }
  func.func @transform_14(%arg0: i32) -> (i32, i32) {
    %c0_i32 = arith.constant 0 : i32
    %c0_i32_0 = arith.constant 0 : i32
    return %arg0, %c0_i32 : i32, i32
  }
}

</mosaic_0001>

<sc_bundles>
// kernel: kernel.5.cloned.1.call-start
scs
__scs_entry_jumppad:
0x0: {  	(pc) =	sbr.rel $0x88, $3  }
0x1: {  	(tag) =	ssettag $0x0;
	lr =	simm.s32 $0x1  }
0x2: {  	[smem:$0x3F8D] =	sst lr;
	_ =	strace $0xD0000000  }
0x3: {  	_ = 	snop  }
0x4: {  	_ = 	snop  }
0x5: {  	_ = 	snop  }
0x6: {  	_ = 	snop  }
0x7: {  	_ = 	snop  }
__scs_overlays_trampoline_lowered:
0x8: {  	[smem:$0x3F9C] =	sst s0  }
0x9: {  	[smem:$0x3F9D] =	sst s1  }
0xa: {  	[smem:$0x3F9E] =	sst s2  }
0xb: {  	[smem:$0x3F9F] =	sst s3  }
0xc: {  	[smem:$0x3FA0] =	sst s4  }
0xd: {  	[smem:$0x3FA1] =	sst s5  }
0xe: {  	[smem:$0x3FA2] =	sst s6  }
0xf: {  	[smem:$0x3FA3] =	sst s7  }
0x10: {  	[smem:$0x3FA4] =	sst s8  }
0x11: {  	[smem:$0x3FA5] =	sst s9;
	s0 =	simm.s32 @!p0 $0x0  }
0x12: {  	s1 =	sld [smem:$0x3F8B];
	s0 =	simm.s32 @p0 $0x1  }
0x13: {  	[smem:$0x3FA6] =	sst s0;
	s0 =	simm.s32 @!p1 $0x0  }
0x14: {  	s2 =	sld [smem:$0x3F8A];
	s0 =	simm.s32 @p1 $0x1  }
0x15: {  	[smem:$0x3FA7] =	sst s0;
	s0 =	simm.s32 @!p2 $0x0  }
0x16: {  	s3 =	sld [smem:$0x3FDB];
	s0 =	simm.s32 @p2 $0x1  }
0x17: {  	s4 =	simm.s32 $0x1BF5;
	[smem:$0x3FA9] =	sst s0  }
0x18: {  	s0 =	sld [smem:$0x3F8C];
	_ =	swait.ge [sflag:s4], $0x0  }
0x19: {  	s7 =	sld [smem:$0x3F8D]  }
0x1a: {  	s8 =	sadd.s32 $0xFFFFE003, lr  }
0x1b: {  	s9 =	sadd.s32 $0xFFFFFEF7, lr;
	s5 =	simm.s32 $0xFFFFFFFF;
	p2 =	slt.u32 s8, $0xFFFFF086  }
0x1c: {  	p1 =	slt.u32 s9, $0xF7A;
	s5 =	simm.s32 @!p2 $0x0  }
0x1d: {  	s5 =	simm.s32 @p1 $0x1;
	p0 =	seq.s32 s7, s2  }
0x1e: {  	s7 =	smul.u32 @!p0 $0xF7A, s2;
	p2 =	seq.s32 @!p0 s5, $0x0  }
0x1f: {  	s9 =	smul.u32 $0xF7A, s1;
	s8 =	simm.s32 @!p0 $0x1BF5;
	p2 =	por !p2, p0  }
0x20: {  	[sflag:s8] =	ssyncset.s32 @!p0 $0xFFFFF086;
	s6 =	sadd.s32 @!p0 s3, s7;
	s7 =	simm.s32 @!p0 $0x108  }
0x21: {  	s3 =	sadd.s32 s3, s9;
	s6 =	sadd.s32 @!p0 $0x88, s6;
	s7 =	simm.s32 @p2 $0x1082  }
0x22: {  	[simem:s7], [sflag:s8] =	dma.local @!p0 [hbm:s6], $0xF7A  }
0x23: {  	s9 =	sor.u32 $0xD0000000, s2;
	s6 =	simm.s32 $0x108;
	_ =	swait.ge @!p0 [sflag:s8], $0x0  }
0x24: {  	s3 =	sadd.s32 $0x88, s3;
	s6 =	simm.s32 @!p1 $0x1082;
	[sflag:s4] =	ssyncset.s32 $0xFFFFF086  }
0x25: {  	[simem:s6], [sflag:s4] =	dma.local [hbm:s3], $0xF7A  }
0x26: {  	[smem:$0x3F8D] =	sst s1;
	(tag) =	ssettag s2;
	_ =	strace s9  }
0x27: {  	s1 =	sld [smem:$0x3F9D]  }
0x28: {  	s2 =	sld [smem:$0x3F9E]  }
0x29: {  	s4 =	sld [smem:$0x3FA0]  }
0x2a: {  	p0 =	seq.s32 s5, $0x0;
	s5 =	sld [smem:$0x3FA1]  }
0x2b: {  	s6 =	sld [smem:$0x3FA2]  }
0x2c: {  	s7 =	sld [smem:$0x3FA3]  }
0x2d: {  	s3 =	simm.s32 $0x108;
	s8 =	sld [smem:$0x3FA4]  }
0x2e: {  	s3 =	simm.s32 @!p0 $0x1082;
	s9 =	sld [smem:$0x3FA5]  }
0x2f: {  	lr =	sadd.s32 s0, s3;
	s0 =	sld [smem:$0x3F9C]  }
0x30: {  	s3 =	sld [smem:$0x3F9F]  }
0x31: {  	[smem:$0x3FA8] =	sst s10  }
0x32: {  	s10 =	sld [smem:$0x3FA6];
	_ =	sdelay $0x3  }
0x33: {  	p0 =	seq.s32 s10, $0x1;
	s10 =	sld [smem:$0x3FA8];
	_ =	sdelay $0x3  }
0x34: {  	[smem:$0x3FA8] =	sst s10  }
0x35: {  	s10 =	sld [smem:$0x3FA7];
	_ =	sdelay $0x3  }
0x36: {  	p1 =	seq.s32 s10, $0x1;
	s10 =	sld [smem:$0x3FA8];
	_ =	sdelay $0x3  }
0x37: {  	[smem:$0x3FA8] =	sst s10  }
0x38: {  	s10 =	sld [smem:$0x3FA9]  }
0x39: {  	_ = 	snop;
	(pc) =	sbr.ind lr, $3  }
0x3a: {  	_ = 	snop  }
0x3b: {  	_ = 	snop  }
0x3c: {  	p2 =	seq.s32 s10, $0x1;
	s10 =	sld [smem:$0x3FA8]  }
0x3d: {  	_ =	shalt  }
0x3e: {  	_ =	shalt  }
0x3f: {  	_ =	shalt  }
0x40: {  	_ =	shalt  }
0x41: {  	_ =	shalt  }
0x42: {  	_ =	shalt  }
0x43: {  	_ =	shalt  }
0x44: {  	_ =	shalt  }
0x45: {  	_ =	shalt  }
0x46: {  	_ =	shalt  }
0x47: {  	_ =	shalt  }
0x48: {  	_ =	shalt  }
0x49: {  	_ =	shalt  }
0x4a: {  	_ =	shalt  }
0x4b: {  	_ =	shalt  }
0x4c: {  	_ =	shalt  }
0x4d: {  	_ =	shalt  }
0x4e: {  	_ =	shalt  }
0x4f: {  	_ =	shalt  }
0x50: {  	_ =	shalt  }
0x51: {  	_ =	shalt  }
0x52: {  	_ =	shalt  }
0x53: {  	_ =	shalt  }
0x54: {  	_ =	shalt  }
0x55: {  	_ =	shalt  }
0x56: {  	_ =	shalt  }
0x57: {  	_ =	shalt  }
0x58: {  	_ =	shalt  }
0x59: {  	_ =	shalt  }
0x5a: {  	_ =	shalt  }
0x5b: {  	_ =	shalt  }
0x5c: {  	_ =	shalt  }
0x5d: {  	_ =	shalt  }
0x5e: {  	_ =	shalt  }
0x5f: {  	_ =	shalt  }
0x60: {  	_ =	shalt  }
0x61: {  	_ =	shalt  }
0x62: {  	_ =	shalt  }
0x63: {  	_ =	shalt  }
0x64: {  	_ =	shalt  }
0x65: {  	_ =	shalt  }
0x66: {  	_ =	shalt  }
0x67: {  	_ =	shalt  }
0x68: {  	_ =	shalt  }
0x69: {  	_ =	shalt  }
0x6a: {  	_ =	shalt  }
0x6b: {  	_ =	shalt  }
0x6c: {  	_ =	shalt  }
0x6d: {  	_ =	shalt  }
0x6e: {  	_ =	shalt  }
0x6f: {  	_ =	shalt  }
0x70: {  	_ =	shalt  }
0x71: {  	_ =	shalt  }
0x72: {  	_ =	shalt  }
0x73: {  	_ =	shalt  }
0x74: {  	_ =	shalt  }
0x75: {  	_ =	shalt  }
0x76: {  	_ =	shalt  }
0x77: {  	_ =	shalt  }
0x78: {  	_ =	shalt  }
0x79: {  	_ =	shalt  }
0x7a: {  	_ =	shalt  }
0x7b: {  	_ =	shalt  }
0x7c: {  	_ =	shalt  }
0x7d: {  	_ =	shalt  }
0x7e: {  	_ =	shalt  }
0x7f: {  	_ =	shalt  }
0x80: {  	_ =	shalt  }
0x81: {  	_ =	shalt  }
0x82: {  	_ =	shalt  }
0x83: {  	_ =	shalt  }
0x84: {  	_ =	shalt  }
0x85: {  	_ =	shalt  }
0x86: {  	_ =	shalt  }
0x87: {  	_ =	shalt  }
.Lfunc_end0:
.L_simem_size_0:
called_computation_lowered:
.L_overlay_start_0:
0x88: {  	s2 =	sld [smem:$0x3FD9]  }
0x89: {  	s3 =	sld [smem:$0x3FFE];
	_ =	sdelay $0x1  }
0x8a: {  	s1 =	srdreg.scid  }
0x8b: {  	s0 =	sand.u32 $0x1, s1  }
0x8c: {  	s17 =	sshll.u32 s0, $0xA;
	s2 =	sadd.s32 s3, s2  }
0x8d: {  	s2 =	sadd.s32 s2, s17  }
0x8e: {  	[smem:$0x3FB4] =	sst s2  }
0x8f: {  	_ = 	snop  }
0x90: {  	s2 =	sld [smem:$0x3FC7]  }
0x91: {  	s18 =	sld [smem:$0x3FC6];
	(tm) =	ssettm $0x1  }
0x92: {  	s4 =	sld [smem:$0x3FFB];
	_ =	sdelay $0x3  }
0x93: {  	_ =	strace s4  }
0x94: {  	s4 =	sld [smem:$0x3FFC];
	_ =	sdelay $0x3  }
0x95: {  	_ =	strace s4  }
0x96: {  	s4 =	sld [smem:$0x3FFD];
	_ =	sdelay $0x3  }
0x97: {  	_ =	strace s4  }
0x98: {  	_ =	strace $0x8FFFFFFF  }
0x99: {  	s19 =	sld [smem:$0x3FDB];
	_ =	sdelay $0x1  }
0x9a: {  	s5 =	simm.s32 $_scs_section_size  }
0x9b: {  	s6 =	simm.s32 $_size__tile_overlayer_lowered;
	s7 =	simm.s32 $_tile_overlayer_lowered  }
0x9c: {  	s22 =	simm.s32 $0x1BFF;
	s21 =	sshll.u32 s7, $0x1;
	s4 =	sadd.s32 s5, s19  }
0x9d: {  	s8 =	simm.s32 $0x0;
	s20 =	sshll.u32 s6, $0x1;
	s6 =	sadd.s32 s21, s4  }
0x9e: {  	[timem:s8], [sflag:s22] =	dma.local [hbm:s6], s20  }
0x9f: {  	_ =	swait.ge [sflag:s22], s20  }
0xa0: {  	s5 =	ssub.s32 $0x0, s20;
	[sflag:s22] =	ssyncset.done $0x0  }
0xa1: {  	[sflag:s22] =	ssyncadd.s32 s5;
	_ =	sdelay $0x1  }
0xa2: {  	s23 =	simm.s32 $0x1B8B  }
0xa3: {  	_ =	swait.ge [sflag:s23], $0x1  }
0xa4: {  	[sflag:s23] =	ssyncset.done $0x0  }
0xa5: {  	s25 =	simm.s32 $0x1B8E;
	s24 =	sld [smem:$0x3FFE];
	[sflag:s23] =	ssyncadd.s32 $0xFFFFFFFF  }
0xa6: {  	s26 =	simm.s32 $execute0_lowered;
	[smem:$0x3FD2] =	sst s25  }
0xa7: {  	s6 =	sshll.u32 s26, $0x1;
	_ =	strace $0x80000046;
	[dreg:$0x1] =	wrdreg $0xFFFFFFFF  }
0xa8: {  	s28 =	simm.s32 $_size_execute0_lowered;
	s4 =	sadd.s32 s4, s6;
	[dreg:$0x0] =	wrdreg $0x0  }
0xa9: {  	s6 =	sshll.u32 s28, $0x1;
	[dreg:$0x2] =	wrdreg s4  }
0xaa: {  	[dreg:$0x3] =	wrdreg s6  }
0xab: {  	[dreg:$0x4] =	wrdreg $0xC0  }
0xac: {  	_ =	task [dreg:s8], $0x5FFFF  }
0xad: {  	[dreg:$0x1] =	wrdreg $0xFFFFFFFF  }
0xae: {  	[dreg:$0x0] =	wrdreg $0x60  }
0xaf: {  	[dreg:$0x2] =	wrdreg s24  }
0xb0: {  	[dreg:$0x3] =	wrdreg s2  }
0xb1: {  	[dreg:$0x4] =	wrdreg s18  }
0xb2: {  	[dreg:$0x5] =	wrdreg $0xA4000  }
0xb3: {  	[dreg:$0x6] =	wrdreg $0x9  }
0xb4: {  	_ =	task.clear_ibuf [dreg:s8], $0x7FFFF;
	_ =	strace $0x90000046  }
0xb5: {  	s29 =	simm.s32 $0x9;
	_ =	strace $0x80000048  }
0xb6: {  	_ =	swait.ge [sflag:s29], $0x1  }
0xb7: {  	[sflag:s29] =	ssyncadd.s32 $0xFFFFFFFF  }
0xb8: {  	_ =	strace $0x90000048  }
0xb9: {  	_ =	sfence  }
0xba: {  	s30 =	sld [smem:$0x0];
	_ =	sdelay $0x2  }
0xbb: {  	s31 =	sshll.u32 s1, $0xD;
	s1 =	sshrl.u32 s1, $0x2  }
0xbc: {  	s3 =	sand.u32 $0x4000, s31;
	s1 =	sadd.s32 s1, s30  }
0xbd: {  	s0 =	sor.u32 s3, s0;
	s1 =	sshll.u32 s1, $0x11  }
0xbe: {  	s0 =	sor.u32 s1, s0  }
0xbf: {  	s0 =	sadd.s32 $0x8F2B, s0  }
0xc0: {  	[sflag:s0] =	ssyncadd.remote.s32 $0x1  }
0xc1: {  	_ =	sfence.sel $0xFFFF  }
0xc2: {  	[dreg:$0x0] =	wrdreg $0xFFFFFFFF;
	(pc) =	sbr.abs _section_cstart, $3  }
0xc3: {  	[dreg:$0x1] =	wrdreg $0xFFFFFFFF  }
0xc4: {  	_ =	task.clear_ibuf [dreg:s8], $0x2FFFF;
	_ =	strace $0x9FFFFFFF  }
0xc5: {  	(tm) =	ssettm $0x7FFFFFFF  }
tec
execute0_lowered:
.L_overlay_start_1:
0x0: {  	(tag) =	ssettag $0x1  }
0x1: {  	s0 =	rddreg [dreg:$0x0]  }
0x2: {  	s2 =	rddreg [dreg:$0x1]  }
0x3: {  	s3 =	rddreg [dreg:$0x2]  }
0x4: {  	s4 =	rddreg [dreg:$0x3];
	s14 =	stileid.u32;
	s5 =	simm.s32 $0x0  }
0x5: {  	s6 =	srdreg.scid;
	s28 =	simm.s32 $0x50;
	s29 =	simm.s32 $0x5400  }
0x6: {  	s31 =	simm.s32 $0x7;
	s15 =	simm.s32 $0xA;
	s18 =	simm.s32 $0x4  }
0x7: {  	s1 =	smul.u32 $0x14000, s14;
	[smem:$0x7FF] =	sst s5;
	s8 =	sand.u32 $0x1, s6  }
0x8: {  	s6 =	sadd.s32 $0x4E5200, s0;
	s7 =	sadd.s32 $0x3200, s0;
	s19 =	sshll.u32 s14, $0x1  }
0x9: {  	s11 =	smul.u32 $0x50000, s14;
	s21 =	sshll.u32 s14, $0x6;
	s14 =	simm.s32 $0x9  }
0xa: {  	_ =	strace $0x80000047;
	s10 =	smul.u32 $0x140000, s8;
	s12 =	ssub.s32 $0x2, s8  }
0xb: {  	s9 =	sshrl.u32 s1, $0x3;
	s13 =	sshrl.u32 s12, $0x1;
	s11 =	sshrl.u32 s11, $0x2  }
0xc: {  	s9 =	sadd.s32 s9, s0;
	s1 =	sadd.s32 s1, s10;
	s10 =	sor.u32 s8, s19  }
0xd: {  	s20 =	ssub.s32 s12, s13;
	s11 =	sadd.s32 s11, s4;
	s19 =	sor.u32 $0x1C0B, s21  }
0xe: {  	s13 =	simm.s32 $0x6;
	s1 =	sshrl.u32 s1, $0x3;
	s8 =	smul.u32 $0x2710, s10  }
0xf: {  	s9 =	sadd.s32 $0x2B200, s9;
	s10 =	smul.u32 $0x27100, s10;
	[dreg:$0x6] =	wrdreg s19  }
0x10: {  	s30 =	smax.u32 s20, $0x1;
	s21 =	sshrl.u32 s11, $0x3;
	[dreg:$0x5] =	wrdreg s9  }
0x11: {  	s11 =	simm.s32 $0x2C00;
	s0 =	sadd.s32 s1, s0;
	[dreg:$0xd] =	wrdreg s30  }
0x12: {  	s1 =	simm.s32 $0x2;
	[dreg:$0xe] =	wrdreg s21;
	s22 =	sshrl.u32 s8, $0x3  }
0x13: {  	s26 =	sadd.s32 s6, s10;
	s16 =	sadd.s32 $0x140, s8;
	s17 =	sadd.s32 $0x190, s8  }
0x14: {  	s0 =	sadd.s32 $0x53200, s0;
	s20 =	sadd.s32 $0xF0, s8;
	s23 =	sadd.s32 $0xA, s22  }
0x15: {  	s24 =	sadd.s32 s3, s22;
	s12 =	sadd.s32 s2, s22;
	[dreg:$0xb] =	wrdreg s26  }
.Ltmp0:
0x16: {  	[dreg:$0xc] =	wrdreg s0;
	s22 =	simm.s32 $0xB;
	(pc) =	sbr.rel .LBB2_1-.Ltmp0, $4  }
0x17: {  	s26 =	simm.s32 $0x1;
	s0 =	simm.s32 $0x5;
	[dreg:$0x7] =	wrdreg s24  }
0x18: {  	[dreg:$0x8] =	wrdreg s12;
	s25 =	sadd.s32 s3, s23;
	s9 =	sadd.s32 s2, s23  }
0x19: {  	s23 =	simm.s32 $0x200;
	s12 =	simm.s32 $0x8;
	[dreg:$0x9] =	wrdreg s25  }
0x1a: {  	s24 =	simm.s32 $0x0;
	[dreg:$0xa] =	wrdreg s9;
	s9 =	simm.s32 $0x7C00  }
.LBB2_19:
0x1b: {  	_ =	swait.ge [sflag:s14], $0x2800  }
0x1c: {  	[sflag:s14] =	ssyncset.done $0x0  }
0x1d: {  	[sflag:s14] =	ssyncadd.s32 $0xFFFFD800  }
0x1e: {  	[bflag:$0x0] =	sbarrier.arrive $0xFFFF  }
0x1f: {  	s19 =	rddreg [dreg:$0x6]  }
0x20: {  	s10 =	rddreg [dreg:$0xc]  }
0x21: {  	s22 =	simm.s32 $0xB;
	s21 =	rddreg [dreg:$0xe]  }
0x22: {  	[hbm:s10], [sflag:s19] =	dma.local [spmem:s21], $0x2800  }
0x23: {  	_ =	swait.ge [sflag:s22], $0x2800  }
0x24: {  	s24 =	rddreg [dreg:$0xf]  }
0x25: {  	s30 =	rddreg [dreg:$0xd];
	s24 =	sadd.s32 $0x1, s24  }
0x26: {  	p0 =	sne.s32 s24, s30  }
.Ltmp1:
0x27: {  	_ = 	snop;
	(pc) =	sbr.rel @!p0 .LBB2_20-.Ltmp1, $3  }
0x28: {  	_ =	sdelay $0x1  }
0x29: {  	[sflag:s22] =	ssyncset.done $0x0  }
0x2a: {  	[sflag:s22] =	ssyncadd.s32 $0xFFFFD800  }
.LBB2_1:
0x2b: {  	[dreg:$0xf] =	wrdreg s24  }
0x2c: {  	s10 =	rddreg [dreg:$0x5]  }
0x2d: {  	[spmem:s21], [sflag:s19] =	dma.local [hbm:s10], $0x2800  }
0x2e: {  	_ =	swait.ge [sflag:s22], $0x2800  }
0x2f: {  	[sflag:s22] =	ssyncset.done $0x0  }
0x30: {  	[sflag:s22] =	ssyncadd.s32 $0xFFFFD800  }
0x31: {  	[bflag:$0x0] =	sbarrier.arrive $0xFFFF  }
0x32: {  	s25 =	rddreg [dreg:$0x7]  }
0x33: {  	[tilespmem:s23], [sflag:$0x1] =	stream.linear.gather [hbm4b:s25+s5], $0x50, $0x38;
	[tilespmem:$0x1E400] =	vst v63  }
0x34: {  	s30 =	rddreg [dreg:$0x8]  }
0x35: {  	[tilespmem:s5], [sflag:$0x1] =	stream.linear.gather [hbm4b:s30+s5], $0x50, $0x38;
	[tilespmem:$0x1E400] =	vst v63  }
0x36: {  	s21 =	simm.s32 $0x280;
	s19 =	rddreg [dreg:$0x9]  }
0x37: {  	[tilespmem:s21], [sflag:$0x2] =	stream.linear.gather [hbm4b:s19+s5], $0x50, $0x38;
	[tilespmem:$0x1E400] =	vst v63  }
0x38: {  	s24 =	simm.s32 $0x80;
	s22 =	rddreg [dreg:$0xa]  }
0x39: {  	[tilespmem:s24], [sflag:$0x2] =	stream.linear.gather [hbm4b:s22+s5], $0x50, $0x38;
	[tilespmem:$0x1E400] =	vst v63  }
0x3a: {  	_ =	swait.ge [sflag:s26], $0x50  }
0x3b: {  	[sflag:s26] =	ssyncset.done $0x0  }
0x3c: {  	[sflag:s26] =	ssyncadd.s32 $0xFFFFFFB0  }
0x3d: {  	_ =	swait.ge [sflag:s26], $0x50  }
.Ltmp2:
0x3e: {  	[sflag:s26] =	ssyncset.done $0x0;
	(pc) =	sbr.rel .LBB2_2-.Ltmp2, $4  }
0x3f: {  	[sflag:s26] =	ssyncadd.s32 $0xFFFFFFB0  }
0x40: {  	[tilespmem:s29], [sflag:$0x7] =	stream.indirect.gather [hbm4b:s7+s28], $0x80, s23, s28, $0xb8;
	[tilespmem:$0x1E400] =	vst v63  }
0x41: {  	s30 =	simm.s32 $0x400;
	s22 =	simm.s32 $0x0;
	s25 =	rddreg [dreg:$0xb]  }
0x42: {  	[tilespmem:s30], [sflag:$0x5] =	stream.linear.gather [hbm4b:s25+s5], $0x2800, $0x38;
	[tilespmem:$0x1E400] =	vst v63  }
.LBB2_18:
0x43: {  	s22 =	sadd.s32 $0x1, s22  }
0x44: {  	p0 =	sne.s32 s22, $0x20  }
.Ltmp3:
0x45: {  	_ = 	snop;
	(pc) =	sbr.rel @!p0 .LBB2_19-.Ltmp3, $1  }
0x46: {  	_ =	sdelay $0x3  }
.LBB2_2:
0x47: {  	s10 =	sshll.u32 s22, $0x2  }
0x48: {  	s19 =	sor.u32 $0x2, s10  }
0x49: {  	_ =	swait.ge [sflag:s31], $0x2800;
	p0 =	sgt.u32 s19, $0x7C  }
0x4a: {  	[sflag:s31] =	ssyncset.done $0x0;
	s19 =	smul.u32 @!p0 $0x50, s19  }
0x4b: {  	[sflag:s31] =	ssyncadd.s32 $0xFFFFD800  }
0x4c: {  	_ =	swait.ge [sflag:s0], $0x2800;
	s19 =	sadd.s32 @!p0 s8, s19  }
0x4d: {  	s25 =	simm.s32 @!p0 $0x0;
	[sflag:s0] =	ssyncset.done $0x0;
	s21 =	sshrl.u32 @!p0 s19, $0x3  }
0x4e: {  	s30 =	simm.s32 @!p0 $0x300;
	[sflag:s0] =	ssyncadd.s32 $0xFFFFD800;
	s24 =	sadd.s32 @!p0 s3, s21  }
0x4f: {  	[tilespmem:s30], [sflag:$0x3] =	stream.linear.gather @!p0 [hbm4b:s24+s25], $0x50, $0x38;
	[tilespmem:$0x1E400] =	vst v63  }
0x50: {  	p2 =	seq.s32 s22, $0x0;
	s21 =	sadd.s32 @!p0 s2, s21;
	s24 =	simm.s32 @!p0 $0x100  }
0x51: {  	[tilespmem:s24], [sflag:$0x3] =	stream.linear.gather @!p0 [hbm4b:s21+s25], $0x50, $0x38;
	[tilespmem:$0x1E400] =	vst v63  }
0x52: {  	s21 =	sor.u32 @!p2 $0x1, s10  }
0x53: {  	p1 =	sgt.u32 @!p2 s21, $0x7C  }
0x54: {  	p3 =	por p2, !p1  }
.Ltmp4:
0x55: {  	_ = 	snop;
	(pc) =	sbr.rel @!p3 .LBB2_4-.Ltmp4, $4  }
0x56: {  	s24 =	simm.s32 @!p2 $0xA  }
0x57: {  	_ =	swait.ge @!p2 [sflag:s24], $0x2800  }
0x58: {  	[sflag:s24] =	ssyncset.done @!p2 $0x0  }
0x59: {  	p1 =	por @!p2 $0x0, $0x0;
	[sflag:s24] =	ssyncadd.s32 @!p2 $0xFFFFD800  }
0x5a: {  	_ =	swait.ge [sflag:s1], $0x50  }
0x5b: {  	s21 =	simm.s32 @p2 $0x1;
	[sflag:s1] =	ssyncset.done $0x0  }
0x5c: {  	s21 =	smul.u32 $0x50, s21;
	[sflag:s1] =	ssyncadd.s32 $0xFFFFFFB0  }
0x5d: {  	_ =	swait.ge [sflag:s1], $0x50  }
0x5e: {  	s21 =	sadd.s32 s8, s21;
	[sflag:s1] =	ssyncset.done $0x0  }
0x5f: {  	s24 =	simm.s32 $0x280;
	s21 =	sshll.u32 s21, $0x4;
	[sflag:s1] =	ssyncadd.s32 $0xFFFFFFB0  }
0x60: {  	[tilespmem:s9], [sflag:$0x8] =	stream.indirect.gather [hbm4b:s7+s28], $0x80, s24, s28, $0xb8;
	[tilespmem:$0x1E400] =	vst v63  }
0x61: {  	p1 =	por $0x1, $0x1;
	s21 =	sadd.s32 s6, s21  }
0x62: {  	[tilespmem:s11], [sflag:$0x6] =	stream.linear.gather [hbm4b:s21+s5], $0x2800, $0x38;
	[tilespmem:$0x1E400] =	vst v63  }
.LBB2_4:
0x63: {  	s21 =	simm.s32 $0x5500  }
0x64: {  	s24 =	simm.s32 $0x500;
	v0 =	vld [tilespmem:s21+$0x80]  }
0x65: {  	v1 =	vld [tilespmem:s24+$0x80]  }
0x66: {  	v2 =	vld [tilespmem:s21+$0xFFFFFF80]  }
0x67: {  	v3 =	vld [tilespmem:s24+$0xFFFFFF80]  }
0x68: {  	v4 =	vld [tilespmem:s21+$0x0]  }
0x69: {  	v5 =	vld [tilespmem:s24+$0x0]  }
0x6a: {  	v6 =	vld [tilespmem:s21+$0xFFFFFF00];
	v0 =	vmul.f32 v1, v0  }
0x6b: {  	v1 =	vld [tilespmem:s24+$0xFFFFFF00]  }
0x6c: {  	[tilespmem:s21+$0x80] =	vst v0;
	v0 =	vld [tilespmem:s21+$0x90]  }
0x6d: {  	v2 =	vmul.f32 v3, v2;
	v3 =	vld [tilespmem:s24+$0x90]  }
0x6e: {  	v7 =	vld [tilespmem:s21+$0xFFFFFF10]  }
0x6f: {  	[tilespmem:s21+$0xFFFFFF80] =	vst v2;
	v2 =	vmul.f32 v5, v4;
	v4 =	vld [tilespmem:s21+$0xFFFFFF90]  }
0x70: {  	v5 =	vld [tilespmem:s24+$0xFFFFFF90];
	v1 =	vmul.f32 v1, v6  }
0x71: {  	[tilespmem:s21+$0x0] =	vst v2;
	v2 =	vld [tilespmem:s21+$0x10]  }
0x72: {  	v6 =	vld [tilespmem:s24+$0x10];
	[tilespmem:s21+$0xFFFFFF00] =	vst v1;
	v0 =	vmul.f32 v3, v0  }
0x73: {  	v1 =	vld [tilespmem:s24+$0xFFFFFF10]  }
0x74: {  	[tilespmem:s21+$0x90] =	vst v0;
	v0 =	vld [tilespmem:s21+$0xA0]  }
0x75: {  	v3 =	vmul.f32 v5, v4;
	v4 =	vld [tilespmem:s24+$0xA0]  }
0x76: {  	v5 =	vld [tilespmem:s21+$0xFFFFFF20]  }
0x77: {  	[tilespmem:s21+$0xFFFFFF90] =	vst v3;
	v2 =	vmul.f32 v6, v2;
	v3 =	vld [tilespmem:s21+$0xFFFFFFA0]  }
0x78: {  	v6 =	vld [tilespmem:s24+$0xFFFFFFA0];
	v1 =	vmul.f32 v1, v7  }
0x79: {  	[tilespmem:s21+$0x10] =	vst v2;
	v2 =	vld [tilespmem:s21+$0x20]  }
0x7a: {  	v7 =	vld [tilespmem:s24+$0x20];
	[tilespmem:s21+$0xFFFFFF10] =	vst v1;
	v0 =	vmul.f32 v4, v0  }
0x7b: {  	v1 =	vld [tilespmem:s24+$0xFFFFFF20]  }
0x7c: {  	[tilespmem:s21+$0xA0] =	vst v0;
	v0 =	vld [tilespmem:s21+$0xB0]  }
0x7d: {  	v3 =	vmul.f32 v6, v3;
	v4 =	vld [tilespmem:s24+$0xB0]  }
0x7e: {  	v6 =	vld [tilespmem:s21+$0xFFFFFF30]  }
0x7f: {  	[tilespmem:s21+$0xFFFFFFA0] =	vst v3;
	v2 =	vmul.f32 v7, v2;
	v3 =	vld [tilespmem:s21+$0xFFFFFFB0]  }
0x80: {  	v7 =	vld [tilespmem:s24+$0xFFFFFFB0];
	v1 =	vmul.f32 v1, v5  }
0x81: {  	[tilespmem:s21+$0x20] =	vst v2;
	v2 =	vld [tilespmem:s21+$0x30]  }
0x82: {  	v5 =	vld [tilespmem:s24+$0x30];
	[tilespmem:s21+$0xFFFFFF20] =	vst v1;
	v0 =	vmul.f32 v4, v0  }
0x83: {  	v1 =	vld [tilespmem:s24+$0xFFFFFF30]  }
0x84: {  	[tilespmem:s21+$0xB0] =	vst v0;
	v0 =	vld [tilespmem:s21+$0xC0]  }
0x85: {  	v3 =	vmul.f32 v7, v3;
	v4 =	vld [tilespmem:s24+$0xC0]  }
0x86: {  	v7 =	vld [tilespmem:s21+$0xFFFFFF40]  }
0x87: {  	[tilespmem:s21+$0xFFFFFFB0] =	vst v3;
	v2 =	vmul.f32 v5, v2;
	v3 =	vld [tilespmem:s21+$0xFFFFFFC0]  }
0x88: {  	v5 =	vld [tilespmem:s24+$0xFFFFFFC0];
	v1 =	vmul.f32 v1, v6  }
0x89: {  	[tilespmem:s21+$0x30] =	vst v2;
	v2 =	vld [tilespmem:s21+$0x40]  }
0x8a: {  	v6 =	vld [tilespmem:s24+$0x40];
	[tilespmem:s21+$0xFFFFFF30] =	vst v1;
	v0 =	vmul.f32 v4, v0  }
0x8b: {  	v1 =	vld [tilespmem:s24+$0xFFFFFF40]  }
0x8c: {  	[tilespmem:s21+$0xC0] =	vst v0;
	v0 =	vld [tilespmem:s21+$0xD0]  }
0x8d: {  	v3 =	vmul.f32 v5, v3;
	v4 =	vld [tilespmem:s24+$0xD0]  }
0x8e: {  	v5 =	vld [tilespmem:s21+$0xFFFFFF50]  }
0x8f: {  	[tilespmem:s21+$0xFFFFFFC0] =	vst v3;
	v2 =	vmul.f32 v6, v2;
	v3 =	vld [tilespmem:s21+$0xFFFFFFD0]  }
0x90: {  	v6 =	vld [tilespmem:s24+$0xFFFFFFD0];
	v1 =	vmul.f32 v1, v7  }
0x91: {  	[tilespmem:s21+$0x40] =	vst v2;
	v2 =	vld [tilespmem:s21+$0x50]  }
0x92: {  	v7 =	vld [tilespmem:s24+$0x50];
	[tilespmem:s21+$0xFFFFFF40] =	vst v1;
	v0 =	vmul.f32 v4, v0  }
0x93: {  	v1 =	vld [tilespmem:s24+$0xFFFFFF50]  }
0x94: {  	[tilespmem:s21+$0xD0] =	vst v0;
	v0 =	vld [tilespmem:s21+$0xE0]  }
0x95: {  	v3 =	vmul.f32 v6, v3;
	v4 =	vld [tilespmem:s24+$0xE0]  }
0x96: {  	v6 =	vld [tilespmem:s21+$0xFFFFFF60]  }
0x97: {  	[tilespmem:s21+$0xFFFFFFD0] =	vst v3;
	v2 =	vmul.f32 v7, v2;
	v3 =	vld [tilespmem:s21+$0xFFFFFFE0]  }
0x98: {  	v7 =	vld [tilespmem:s24+$0xFFFFFFE0];
	v1 =	vmul.f32 v1, v5  }
0x99: {  	[tilespmem:s21+$0x50] =	vst v2;
	v2 =	vld [tilespmem:s21+$0x60]  }
0x9a: {  	v5 =	vld [tilespmem:s24+$0x60];
	[tilespmem:s21+$0xFFFFFF50] =	vst v1;
	v0 =	vmul.f32 v4, v0  }
0x9b: {  	v4 =	vld [tilespmem:s24+$0xFFFFFF60]  }
0x9c: {  	v8 =	vld [tilespmem:s21+$0xF0];
	[tilespmem:s21+$0xE0] =	vst v0  }
0x9d: {  	v1 =	vmul.f32 v7, v3;
	v7 =	vld [tilespmem:s24+$0xF0]  }
0x9e: {  	v0 =	vld [tilespmem:s21+$0xFFFFFF70]  }
0x9f: {  	[tilespmem:s21+$0xFFFFFFE0] =	vst v1;
	v2 =	vmul.f32 v5, v2;
	v1 =	vld [tilespmem:s21+$0xFFFFFFF0]  }
0xa0: {  	v3 =	vld [tilespmem:s24+$0xFFFFFFF0];
	v4 =	vmul.f32 v4, v6  }
0xa1: {  	[tilespmem:s21+$0x60] =	vst v2;
	v2 =	vld [tilespmem:s21+$0x70]  }
0xa2: {  	[tilespmem:s21+$0xFFFFFF60] =	vst v4;
	v4 =	vld [tilespmem:s24+$0x70];
	v6 =	vmul.f32 v7, v8  }
0xa3: {  	s25 =	simm.s32 $0x0;
	s30 =	simm.s32 $0x5700;
	v5 =	vld [tilespmem:s24+$0xFFFFFF70]  }
.LBB2_5:
0xa4: {  	v7 =	vld [tilespmem:s30+$0x80];
	[tilespmem:s21+$0xF0] =	vst v6;
	s24 =	sadd.s32 $0x200, s24  }
0xa5: {  	s25 =	sadd.s32 $0x4, s25;
	v6 =	vld [tilespmem:s24+$0x80];
	v1 =	vmul.f32 v3, v1  }
0xa6: {  	p2 =	slt.u32 s25, $0x4C;
	v3 =	vld [tilespmem:s24+$0xFFFFFF00]  }
0xa7: {  	v8 =	vld [tilespmem:s30+$0xFFFFFF80];
	[tilespmem:s21+$0xFFFFFFF0] =	vst v1;
	v1 =	vmul.f32 v4, v2  }
0xa8: {  	v2 =	vld [tilespmem:s24+$0xFFFFFF80];
	v0 =	vmul.f32 v5, v0  }
0xa9: {  	v4 =	vld [tilespmem:s30+$0x0];
	[tilespmem:s21+$0x70] =	vst v1  }
0xaa: {  	v1 =	vld [tilespmem:s24+$0x0];
	v5 =	vmul.f32 v6, v7;
	[tilespmem:s21+$0xFFFFFF70] =	vst v0;
	s21 =	smov.u32 s30  }
0xab: {  	v0 =	vld [tilespmem:s30+$0xFFFFFF00]  }
0xac: {  	[tilespmem:s30+$0x80] =	vst v5;
	v5 =	vld [tilespmem:s30+$0x90]  }
0xad: {  	v2 =	vmul.f32 v2, v8;
	v6 =	vld [tilespmem:s24+$0x90]  }
0xae: {  	v7 =	vld [tilespmem:s30+$0xFFFFFF10]  }
0xaf: {  	[tilespmem:s30+$0xFFFFFF80] =	vst v2;
	v2 =	vld [tilespmem:s30+$0xFFFFFF90];
	v1 =	vmul.f32 v1, v4  }
0xb0: {  	v0 =	vmul.f32 v3, v0;
	v3 =	vld [tilespmem:s24+$0xFFFFFF90]  }
0xb1: {  	[tilespmem:s30+$0x0] =	vst v1;
	v1 =	vld [tilespmem:s30+$0x10]  }
0xb2: {  	[tilespmem:s30+$0xFFFFFF00] =	vst v0;
	v0 =	vld [tilespmem:s24+$0x10];
	v4 =	vmul.f32 v6, v5  }
0xb3: {  	v5 =	vld [tilespmem:s24+$0xFFFFFF10]  }
0xb4: {  	[tilespmem:s30+$0x90] =	vst v4;
	v4 =	vld [tilespmem:s30+$0xA0]  }
0xb5: {  	v2 =	vmul.f32 v3, v2;
	v3 =	vld [tilespmem:s24+$0xA0]  }
0xb6: {  	v6 =	vld [tilespmem:s30+$0xFFFFFF20]  }
0xb7: {  	[tilespmem:s30+$0xFFFFFF90] =	vst v2;
	v2 =	vld [tilespmem:s30+$0xFFFFFFA0];
	v0 =	vmul.f32 v0, v1  }
0xb8: {  	v1 =	vmul.f32 v5, v7;
	v5 =	vld [tilespmem:s24+$0xFFFFFFA0]  }
0xb9: {  	[tilespmem:s30+$0x10] =	vst v0;
	v0 =	vld [tilespmem:s30+$0x20]  }
0xba: {  	[tilespmem:s30+$0xFFFFFF10] =	vst v1;
	v1 =	vld [tilespmem:s24+$0x20];
	v3 =	vmul.f32 v3, v4  }
0xbb: {  	v4 =	vld [tilespmem:s24+$0xFFFFFF20]  }
0xbc: {  	[tilespmem:s30+$0xA0] =	vst v3;
	v3 =	vld [tilespmem:s30+$0xB0]  }
0xbd: {  	v2 =	vmul.f32 v5, v2;
	v5 =	vld [tilespmem:s24+$0xB0]  }
0xbe: {  	v7 =	vld [tilespmem:s30+$0xFFFFFF30]  }
0xbf: {  	[tilespmem:s30+$0xFFFFFFA0] =	vst v2;
	v2 =	vld [tilespmem:s30+$0xFFFFFFB0];
	v0 =	vmul.f32 v1, v0  }
0xc0: {  	v1 =	vmul.f32 v4, v6;
	v4 =	vld [tilespmem:s24+$0xFFFFFFB0]  }
0xc1: {  	[tilespmem:s30+$0x20] =	vst v0;
	v0 =	vld [tilespmem:s30+$0x30]  }
0xc2: {  	[tilespmem:s30+$0xFFFFFF20] =	vst v1;
	v1 =	vld [tilespmem:s24+$0x30];
	v3 =	vmul.f32 v5, v3  }
0xc3: {  	v5 =	vld [tilespmem:s24+$0xFFFFFF30]  }
0xc4: {  	[tilespmem:s30+$0xB0] =	vst v3;
	v3 =	vld [tilespmem:s30+$0xC0]  }
0xc5: {  	v2 =	vmul.f32 v4, v2;
	v4 =	vld [tilespmem:s24+$0xC0]  }
0xc6: {  	v6 =	vld [tilespmem:s30+$0xFFFFFF40]  }
0xc7: {  	[tilespmem:s30+$0xFFFFFFB0] =	vst v2;
	v2 =	vld [tilespmem:s30+$0xFFFFFFC0];
	v0 =	vmul.f32 v1, v0  }
0xc8: {  	v1 =	vmul.f32 v5, v7;
	v5 =	vld [tilespmem:s24+$0xFFFFFFC0]  }
0xc9: {  	[tilespmem:s30+$0x30] =	vst v0;
	v0 =	vld [tilespmem:s30+$0x40]  }
0xca: {  	[tilespmem:s30+$0xFFFFFF30] =	vst v1;
	v1 =	vld [tilespmem:s24+$0x40];
	v3 =	vmul.f32 v4, v3  }
0xcb: {  	v4 =	vld [tilespmem:s24+$0xFFFFFF40]  }
0xcc: {  	[tilespmem:s30+$0xC0] =	vst v3;
	v3 =	vld [tilespmem:s30+$0xD0]  }
0xcd: {  	v2 =	vmul.f32 v5, v2;
	v5 =	vld [tilespmem:s24+$0xD0]  }
0xce: {  	v7 =	vld [tilespmem:s30+$0xFFFFFF50]  }
0xcf: {  	[tilespmem:s30+$0xFFFFFFC0] =	vst v2;
	v2 =	vld [tilespmem:s30+$0xFFFFFFD0];
	v0 =	vmul.f32 v1, v0  }
0xd0: {  	v1 =	vmul.f32 v4, v6;
	v4 =	vld [tilespmem:s24+$0xFFFFFFD0]  }
0xd1: {  	[tilespmem:s30+$0x40] =	vst v0;
	v0 =	vld [tilespmem:s30+$0x50]  }
0xd2: {  	[tilespmem:s30+$0xFFFFFF40] =	vst v1;
	v1 =	vld [tilespmem:s24+$0x50];
	v3 =	vmul.f32 v5, v3  }
0xd3: {  	v5 =	vld [tilespmem:s24+$0xFFFFFF50]  }
0xd4: {  	[tilespmem:s30+$0xD0] =	vst v3;
	v3 =	vld [tilespmem:s30+$0xE0]  }
0xd5: {  	v2 =	vmul.f32 v4, v2;
	v4 =	vld [tilespmem:s24+$0xE0]  }
0xd6: {  	v6 =	vld [tilespmem:s30+$0xFFFFFF60]  }
0xd7: {  	[tilespmem:s30+$0xFFFFFFD0] =	vst v2;
	v2 =	vld [tilespmem:s30+$0xFFFFFFE0];
	v0 =	vmul.f32 v1, v0  }
0xd8: {  	v1 =	vmul.f32 v5, v7;
	v5 =	vld [tilespmem:s24+$0xFFFFFFE0]  }
0xd9: {  	[tilespmem:s30+$0x50] =	vst v0;
	v7 =	vld [tilespmem:s30+$0x60]  }
0xda: {  	[tilespmem:s30+$0xFFFFFF50] =	vst v1;
	v8 =	vld [tilespmem:s24+$0x60];
	v0 =	vmul.f32 v4, v3  }
0xdb: {  	v3 =	vld [tilespmem:s24+$0xFFFFFF60]  }
0xdc: {  	[tilespmem:s30+$0xE0] =	vst v0;
	v9 =	vld [tilespmem:s30+$0xF0]  }
0xdd: {  	v1 =	vmul.f32 v5, v2;
	v5 =	vld [tilespmem:s24+$0xF0]  }
0xde: {  	v0 =	vld [tilespmem:s30+$0xFFFFFF70]  }
.Ltmp5:
0xdf: {  	[tilespmem:s30+$0xFFFFFFE0] =	vst v1;
	v1 =	vld [tilespmem:s30+$0xFFFFFFF0];
	v2 =	vmul.f32 v8, v7;
	(pc) =	sbr.rel @p2 .LBB2_5-.Ltmp5, $4  }
0xe0: {  	v4 =	vmul.f32 v3, v6;
	v3 =	vld [tilespmem:s24+$0xFFFFFFF0]  }
0xe1: {  	[tilespmem:s30+$0x60] =	vst v2;
	v2 =	vld [tilespmem:s30+$0x70]  }
0xe2: {  	[tilespmem:s30+$0xFFFFFF60] =	vst v4;
	v4 =	vld [tilespmem:s24+$0x70];
	v6 =	vmul.f32 v5, v9  }
0xe3: {  	s30 =	sadd.s32 $0x200, s30;
	v5 =	vld [tilespmem:s24+$0xFFFFFF70]  }
0xe4: {  	_ =	sdelay $0x1  }
0xe5: {  	v1 =	vmul.f32 v3, v1  }
.Ltmp6:
0xe6: {  	[tilespmem:s21+$0xF0] =	vst v6;
	v2 =	vmul.f32 v4, v2;
	(pc) =	sbr.rel @!p1 .LBB2_10-.Ltmp6, $4  }
0xe7: {  	[tilespmem:s21+$0xFFFFFFF0] =	vst v1;
	v0 =	vmul.f32 v5, v0  }
0xe8: {  	[tilespmem:s21+$0x70] =	vst v2  }
0xe9: {  	[tilespmem:s21+$0xFFFFFF70] =	vst v0  }
0xea: {  	[spmem:s4] =	stream.indirect.scatter.add.f32 [tilespmem:s29], [sflag:$0x9], $0x80, s5, s28, $0xb8;
	[tilespmem:$0x1E400] =	vst v63  }
0xeb: {  	s10 =	sor.u32 $0x3, s10  }
0xec: {  	_ =	swait.ge [sflag:s12], $0x2800;
	p1 =	sgt.u32 s10, $0x7C  }
0xed: {  	[sflag:s12] =	ssyncset.done $0x0;
	s10 =	smul.u32 @!p1 $0x50, s10  }
0xee: {  	[sflag:s12] =	ssyncadd.s32 $0xFFFFD800  }
0xef: {  	_ =	swait.ge [sflag:s13], $0x2800;
	s10 =	sadd.s32 @!p1 s8, s10  }
0xf0: {  	s24 =	simm.s32 @!p1 $0x0;
	[sflag:s13] =	ssyncset.done $0x0;
	s10 =	sshrl.u32 @!p1 s10, $0x3  }
0xf1: {  	s25 =	simm.s32 @!p1 $0x380;
	[sflag:s13] =	ssyncadd.s32 $0xFFFFD800;
	s21 =	sadd.s32 @!p1 s3, s10  }
0xf2: {  	[tilespmem:s25], [sflag:$0x4] =	stream.linear.gather @!p1 [hbm4b:s21+s24], $0x50, $0x38;
	[tilespmem:$0x1E400] =	vst v63  }
0xf3: {  	s10 =	sadd.s32 @!p1 s2, s10;
	s21 =	simm.s32 @!p1 $0x180  }
0xf4: {  	[tilespmem:s21], [sflag:$0x4] =	stream.linear.gather @!p1 [hbm4b:s10+s24], $0x50, $0x38;
	[tilespmem:$0x1E400] =	vst v63  }
0xf5: {  	_ =	swait.ge [sflag:s14], $0x2800  }
0xf6: {  	[sflag:s14] =	ssyncset.done $0x0  }
0xf7: {  	s10 =	simm.s32 @!p0 $0x3;
	[sflag:s14] =	ssyncadd.s32 $0xFFFFD800  }
0xf8: {  	_ =	swait.ge @!p0 [sflag:s10], $0x50  }
0xf9: {  	[sflag:s10] =	ssyncset.done @!p0 $0x0  }
0xfa: {  	[sflag:s10] =	ssyncadd.s32 @!p0 $0xFFFFFFB0  }
0xfb: {  	_ =	swait.ge @!p0 [sflag:s10], $0x50  }
0xfc: {  	s21 =	simm.s32 @!p0 $0x300;
	[sflag:s10] =	ssyncset.done @!p0 $0x0  }
0xfd: {  	s24 =	simm.s32 @!p0 $0x5400;
	[sflag:s10] =	ssyncadd.s32 @!p0 $0xFFFFFFB0;
	s10 =	simm.s32 @!p0 $0x50  }
0xfe: {  	[tilespmem:s24], [sflag:$0x7] =	stream.indirect.gather @!p0 [hbm4b:s7+s10], $0x80, s21, s10, $0xb8;
	[tilespmem:$0x1E400] =	vst v63  }
0xff: {  	s10 =	sshll.u32 @!p0 s19, $0x4  }
0x100: {  	s19 =	simm.s32 @!p0 $0x0;
	s21 =	simm.s32 @!p0 $0x400;
	s10 =	sadd.s32 @!p0 s6, s10  }
0x101: {  	[tilespmem:s21], [sflag:$0x5] =	stream.linear.gather @!p0 [hbm4b:s10+s19], $0x2800, $0x38;
	[tilespmem:$0x1E400] =	vst v63  }
0x102: {  	s10 =	simm.s32 $0x7D00  }
0x103: {  	s19 =	simm.s32 $0x2D00;
	v0 =	vld [tilespmem:s10+$0x80]  }
0x104: {  	v1 =	vld [tilespmem:s19+$0x80]  }
0x105: {  	v2 =	vld [tilespmem:s10+$0xFFFFFF80]  }
0x106: {  	v3 =	vld [tilespmem:s19+$0xFFFFFF80]  }
0x107: {  	v4 =	vld [tilespmem:s10+$0x0]  }
0x108: {  	v5 =	vld [tilespmem:s19+$0x0]  }
0x109: {  	v6 =	vld [tilespmem:s10+$0xFFFFFF00];
	v0 =	vmul.f32 v1, v0  }
0x10a: {  	v1 =	vld [tilespmem:s19+$0xFFFFFF00]  }
0x10b: {  	[tilespmem:s10+$0x80] =	vst v0;
	v0 =	vld [tilespmem:s10+$0x90]  }
0x10c: {  	v2 =	vmul.f32 v3, v2;
	v3 =	vld [tilespmem:s19+$0x90]  }
0x10d: {  	v7 =	vld [tilespmem:s10+$0xFFFFFF10]  }
0x10e: {  	[tilespmem:s10+$0xFFFFFF80] =	vst v2;
	v2 =	vmul.f32 v5, v4;
	v4 =	vld [tilespmem:s10+$0xFFFFFF90]  }
0x10f: {  	v5 =	vld [tilespmem:s19+$0xFFFFFF90];
	v1 =	vmul.f32 v1, v6  }
0x110: {  	[tilespmem:s10+$0x0] =	vst v2;
	v2 =	vld [tilespmem:s10+$0x10]  }
0x111: {  	v6 =	vld [tilespmem:s19+$0x10];
	[tilespmem:s10+$0xFFFFFF00] =	vst v1;
	v0 =	vmul.f32 v3, v0  }
0x112: {  	v1 =	vld [tilespmem:s19+$0xFFFFFF10]  }
0x113: {  	[tilespmem:s10+$0x90] =	vst v0;
	v0 =	vld [tilespmem:s10+$0xA0]  }
0x114: {  	v3 =	vmul.f32 v5, v4;
	v4 =	vld [tilespmem:s19+$0xA0]  }
0x115: {  	v5 =	vld [tilespmem:s10+$0xFFFFFF20]  }
0x116: {  	[tilespmem:s10+$0xFFFFFF90] =	vst v3;
	v2 =	vmul.f32 v6, v2;
	v3 =	vld [tilespmem:s10+$0xFFFFFFA0]  }
0x117: {  	v6 =	vld [tilespmem:s19+$0xFFFFFFA0];
	v1 =	vmul.f32 v1, v7  }
0x118: {  	[tilespmem:s10+$0x10] =	vst v2;
	v2 =	vld [tilespmem:s10+$0x20]  }
0x119: {  	v7 =	vld [tilespmem:s19+$0x20];
	[tilespmem:s10+$0xFFFFFF10] =	vst v1;
	v0 =	vmul.f32 v4, v0  }
0x11a: {  	v1 =	vld [tilespmem:s19+$0xFFFFFF20]  }
0x11b: {  	[tilespmem:s10+$0xA0] =	vst v0;
	v0 =	vld [tilespmem:s10+$0xB0]  }
0x11c: {  	v3 =	vmul.f32 v6, v3;
	v4 =	vld [tilespmem:s19+$0xB0]  }
0x11d: {  	v6 =	vld [tilespmem:s10+$0xFFFFFF30]  }
0x11e: {  	[tilespmem:s10+$0xFFFFFFA0] =	vst v3;
	v2 =	vmul.f32 v7, v2;
	v3 =	vld [tilespmem:s10+$0xFFFFFFB0]  }
0x11f: {  	v7 =	vld [tilespmem:s19+$0xFFFFFFB0];
	v1 =	vmul.f32 v1, v5  }
0x120: {  	[tilespmem:s10+$0x20] =	vst v2;
	v2 =	vld [tilespmem:s10+$0x30]  }
0x121: {  	v5 =	vld [tilespmem:s19+$0x30];
	[tilespmem:s10+$0xFFFFFF20] =	vst v1;
	v0 =	vmul.f32 v4, v0  }
0x122: {  	v1 =	vld [tilespmem:s19+$0xFFFFFF30]  }
0x123: {  	[tilespmem:s10+$0xB0] =	vst v0;
	v0 =	vld [tilespmem:s10+$0xC0]  }
0x124: {  	v3 =	vmul.f32 v7, v3;
	v4 =	vld [tilespmem:s19+$0xC0]  }
0x125: {  	v7 =	vld [tilespmem:s10+$0xFFFFFF40]  }
0x126: {  	[tilespmem:s10+$0xFFFFFFB0] =	vst v3;
	v2 =	vmul.f32 v5, v2;
	v3 =	vld [tilespmem:s10+$0xFFFFFFC0]  }
0x127: {  	v5 =	vld [tilespmem:s19+$0xFFFFFFC0];
	v1 =	vmul.f32 v1, v6  }
0x128: {  	[tilespmem:s10+$0x30] =	vst v2;
	v2 =	vld [tilespmem:s10+$0x40]  }
0x129: {  	v6 =	vld [tilespmem:s19+$0x40];
	[tilespmem:s10+$0xFFFFFF30] =	vst v1;
	v0 =	vmul.f32 v4, v0  }
0x12a: {  	v1 =	vld [tilespmem:s19+$0xFFFFFF40]  }
0x12b: {  	[tilespmem:s10+$0xC0] =	vst v0;
	v0 =	vld [tilespmem:s10+$0xD0]  }
0x12c: {  	v3 =	vmul.f32 v5, v3;
	v4 =	vld [tilespmem:s19+$0xD0]  }
0x12d: {  	v5 =	vld [tilespmem:s10+$0xFFFFFF50]  }
0x12e: {  	[tilespmem:s10+$0xFFFFFFC0] =	vst v3;
	v2 =	vmul.f32 v6, v2;
	v3 =	vld [tilespmem:s10+$0xFFFFFFD0]  }
0x12f: {  	v6 =	vld [tilespmem:s19+$0xFFFFFFD0];
	v1 =	vmul.f32 v1, v7  }
0x130: {  	[tilespmem:s10+$0x40] =	vst v2;
	v2 =	vld [tilespmem:s10+$0x50]  }
0x131: {  	v7 =	vld [tilespmem:s19+$0x50];
	[tilespmem:s10+$0xFFFFFF40] =	vst v1;
	v0 =	vmul.f32 v4, v0  }
0x132: {  	v1 =	vld [tilespmem:s19+$0xFFFFFF50]  }
0x133: {  	[tilespmem:s10+$0xD0] =	vst v0;
	v0 =	vld [tilespmem:s10+$0xE0]  }
0x134: {  	v3 =	vmul.f32 v6, v3;
	v4 =	vld [tilespmem:s19+$0xE0]  }
0x135: {  	v6 =	vld [tilespmem:s10+$0xFFFFFF60]  }
0x136: {  	[tilespmem:s10+$0xFFFFFFD0] =	vst v3;
	v2 =	vmul.f32 v7, v2;
	v3 =	vld [tilespmem:s10+$0xFFFFFFE0]  }
0x137: {  	v7 =	vld [tilespmem:s19+$0xFFFFFFE0];
	v1 =	vmul.f32 v1, v5  }
0x138: {  	[tilespmem:s10+$0x50] =	vst v2;
	v2 =	vld [tilespmem:s10+$0x60]  }
0x139: {  	v5 =	vld [tilespmem:s19+$0x60];
	[tilespmem:s10+$0xFFFFFF50] =	vst v1;
	v0 =	vmul.f32 v4, v0  }
0x13a: {  	v4 =	vld [tilespmem:s19+$0xFFFFFF60]  }
0x13b: {  	v8 =	vld [tilespmem:s10+$0xF0];
	[tilespmem:s10+$0xE0] =	vst v0  }
0x13c: {  	v1 =	vmul.f32 v7, v3;
	v7 =	vld [tilespmem:s19+$0xF0]  }
0x13d: {  	v0 =	vld [tilespmem:s10+$0xFFFFFF70]  }
0x13e: {  	[tilespmem:s10+$0xFFFFFFE0] =	vst v1;
	v2 =	vmul.f32 v5, v2;
	v1 =	vld [tilespmem:s10+$0xFFFFFFF0]  }
0x13f: {  	v3 =	vld [tilespmem:s19+$0xFFFFFFF0];
	v4 =	vmul.f32 v4, v6  }
0x140: {  	[tilespmem:s10+$0x60] =	vst v2;
	v2 =	vld [tilespmem:s10+$0x70]  }
0x141: {  	[tilespmem:s10+$0xFFFFFF60] =	vst v4;
	v4 =	vld [tilespmem:s19+$0x70];
	v6 =	vmul.f32 v7, v8  }
0x142: {  	s24 =	simm.s32 $0x7F00;
	s21 =	simm.s32 $0x0;
	v5 =	vld [tilespmem:s19+$0xFFFFFF70]  }
.LBB2_8:
0x143: {  	v7 =	vld [tilespmem:s24+$0x80];
	[tilespmem:s10+$0xF0] =	vst v6;
	s19 =	sadd.s32 $0x200, s19  }
0x144: {  	s21 =	sadd.s32 $0x4, s21;
	v6 =	vld [tilespmem:s19+$0x80];
	v1 =	vmul.f32 v3, v1  }
0x145: {  	p1 =	slt.u32 s21, $0x4C;
	v3 =	vld [tilespmem:s19+$0xFFFFFF00]  }
0x146: {  	v8 =	vld [tilespmem:s24+$0xFFFFFF80];
	[tilespmem:s10+$0xFFFFFFF0] =	vst v1;
	v1 =	vmul.f32 v4, v2  }
0x147: {  	v2 =	vld [tilespmem:s19+$0xFFFFFF80];
	v0 =	vmul.f32 v5, v0  }
0x148: {  	v4 =	vld [tilespmem:s24+$0x0];
	[tilespmem:s10+$0x70] =	vst v1  }
0x149: {  	v1 =	vld [tilespmem:s19+$0x0];
	v5 =	vmul.f32 v6, v7;
	[tilespmem:s10+$0xFFFFFF70] =	vst v0;
	s10 =	smov.u32 s24  }
0x14a: {  	v0 =	vld [tilespmem:s24+$0xFFFFFF00]  }
0x14b: {  	[tilespmem:s24+$0x80] =	vst v5;
	v5 =	vld [tilespmem:s24+$0x90]  }
0x14c: {  	v2 =	vmul.f32 v2, v8;
	v6 =	vld [tilespmem:s19+$0x90]  }
0x14d: {  	v7 =	vld [tilespmem:s24+$0xFFFFFF10]  }
0x14e: {  	[tilespmem:s24+$0xFFFFFF80] =	vst v2;
	v2 =	vld [tilespmem:s24+$0xFFFFFF90];
	v1 =	vmul.f32 v1, v4  }
0x14f: {  	v0 =	vmul.f32 v3, v0;
	v3 =	vld [tilespmem:s19+$0xFFFFFF90]  }
0x150: {  	[tilespmem:s24+$0x0] =	vst v1;
	v1 =	vld [tilespmem:s24+$0x10]  }
0x151: {  	[tilespmem:s24+$0xFFFFFF00] =	vst v0;
	v0 =	vld [tilespmem:s19+$0x10];
	v4 =	vmul.f32 v6, v5  }
0x152: {  	v5 =	vld [tilespmem:s19+$0xFFFFFF10]  }
0x153: {  	[tilespmem:s24+$0x90] =	vst v4;
	v4 =	vld [tilespmem:s24+$0xA0]  }
0x154: {  	v2 =	vmul.f32 v3, v2;
	v3 =	vld [tilespmem:s19+$0xA0]  }
0x155: {  	v6 =	vld [tilespmem:s24+$0xFFFFFF20]  }
0x156: {  	[tilespmem:s24+$0xFFFFFF90] =	vst v2;
	v2 =	vld [tilespmem:s24+$0xFFFFFFA0];
	v0 =	vmul.f32 v0, v1  }
0x157: {  	v1 =	vmul.f32 v5, v7;
	v5 =	vld [tilespmem:s19+$0xFFFFFFA0]  }
0x158: {  	[tilespmem:s24+$0x10] =	vst v0;
	v0 =	vld [tilespmem:s24+$0x20]  }
0x159: {  	[tilespmem:s24+$0xFFFFFF10] =	vst v1;
	v1 =	vld [tilespmem:s19+$0x20];
	v3 =	vmul.f32 v3, v4  }
0x15a: {  	v4 =	vld [tilespmem:s19+$0xFFFFFF20]  }
0x15b: {  	[tilespmem:s24+$0xA0] =	vst v3;
	v3 =	vld [tilespmem:s24+$0xB0]  }
0x15c: {  	v2 =	vmul.f32 v5, v2;
	v5 =	vld [tilespmem:s19+$0xB0]  }
0x15d: {  	v7 =	vld [tilespmem:s24+$0xFFFFFF30]  }
0x15e: {  	[tilespmem:s24+$0xFFFFFFA0] =	vst v2;
	v2 =	vld [tilespmem:s24+$0xFFFFFFB0];
	v0 =	vmul.f32 v1, v0  }
0x15f: {  	v1 =	vmul.f32 v4, v6;
	v4 =	vld [tilespmem:s19+$0xFFFFFFB0]  }
0x160: {  	[tilespmem:s24+$0x20] =	vst v0;
	v0 =	vld [tilespmem:s24+$0x30]  }
0x161: {  	[tilespmem:s24+$0xFFFFFF20] =	vst v1;
	v1 =	vld [tilespmem:s19+$0x30];
	v3 =	vmul.f32 v5, v3  }
0x162: {  	v5 =	vld [tilespmem:s19+$0xFFFFFF30]  }
0x163: {  	[tilespmem:s24+$0xB0] =	vst v3;
	v3 =	vld [tilespmem:s24+$0xC0]  }
0x164: {  	v2 =	vmul.f32 v4, v2;
	v4 =	vld [tilespmem:s19+$0xC0]  }
0x165: {  	v6 =	vld [tilespmem:s24+$0xFFFFFF40]  }
0x166: {  	[tilespmem:s24+$0xFFFFFFB0] =	vst v2;
	v2 =	vld [tilespmem:s24+$0xFFFFFFC0];
	v0 =	vmul.f32 v1, v0  }
0x167: {  	v1 =	vmul.f32 v5, v7;
	v5 =	vld [tilespmem:s19+$0xFFFFFFC0]  }
0x168: {  	[tilespmem:s24+$0x30] =	vst v0;
	v0 =	vld [tilespmem:s24+$0x40]  }
0x169: {  	[tilespmem:s24+$0xFFFFFF30] =	vst v1;
	v1 =	vld [tilespmem:s19+$0x40];
	v3 =	vmul.f32 v4, v3  }
0x16a: {  	v4 =	vld [tilespmem:s19+$0xFFFFFF40]  }
0x16b: {  	[tilespmem:s24+$0xC0] =	vst v3;
	v3 =	vld [tilespmem:s24+$0xD0]  }
0x16c: {  	v2 =	vmul.f32 v5, v2;
	v5 =	vld [tilespmem:s19+$0xD0]  }
0x16d: {  	v7 =	vld [tilespmem:s24+$0xFFFFFF50]  }
0x16e: {  	[tilespmem:s24+$0xFFFFFFC0] =	vst v2;
	v2 =	vld [tilespmem:s24+$0xFFFFFFD0];
	v0 =	vmul.f32 v1, v0  }
0x16f: {  	v1 =	vmul.f32 v4, v6;
	v4 =	vld [tilespmem:s19+$0xFFFFFFD0]  }
0x170: {  	[tilespmem:s24+$0x40] =	vst v0;
	v0 =	vld [tilespmem:s24+$0x50]  }
0x171: {  	[tilespmem:s24+$0xFFFFFF40] =	vst v1;
	v1 =	vld [tilespmem:s19+$0x50];
	v3 =	vmul.f32 v5, v3  }
0x172: {  	v5 =	vld [tilespmem:s19+$0xFFFFFF50]  }
0x173: {  	[tilespmem:s24+$0xD0] =	vst v3;
	v3 =	vld [tilespmem:s24+$0xE0]  }
0x174: {  	v2 =	vmul.f32 v4, v2;
	v4 =	vld [tilespmem:s19+$0xE0]  }
0x175: {  	v6 =	vld [tilespmem:s24+$0xFFFFFF60]  }
0x176: {  	[tilespmem:s24+$0xFFFFFFD0] =	vst v2;
	v2 =	vld [tilespmem:s24+$0xFFFFFFE0];
	v0 =	vmul.f32 v1, v0  }
0x177: {  	v1 =	vmul.f32 v5, v7;
	v5 =	vld [tilespmem:s19+$0xFFFFFFE0]  }
0x178: {  	[tilespmem:s24+$0x50] =	vst v0;
	v7 =	vld [tilespmem:s24+$0x60]  }
0x179: {  	[tilespmem:s24+$0xFFFFFF50] =	vst v1;
	v8 =	vld [tilespmem:s19+$0x60];
	v0 =	vmul.f32 v4, v3  }
0x17a: {  	v3 =	vld [tilespmem:s19+$0xFFFFFF60]  }
0x17b: {  	[tilespmem:s24+$0xE0] =	vst v0;
	v9 =	vld [tilespmem:s24+$0xF0]  }
0x17c: {  	v1 =	vmul.f32 v5, v2;
	v5 =	vld [tilespmem:s19+$0xF0]  }
0x17d: {  	v0 =	vld [tilespmem:s24+$0xFFFFFF70]  }
.Ltmp7:
0x17e: {  	[tilespmem:s24+$0xFFFFFFE0] =	vst v1;
	v1 =	vld [tilespmem:s24+$0xFFFFFFF0];
	v2 =	vmul.f32 v8, v7;
	(pc) =	sbr.rel @p1 .LBB2_8-.Ltmp7, $4  }
0x17f: {  	v4 =	vmul.f32 v3, v6;
	v3 =	vld [tilespmem:s19+$0xFFFFFFF0]  }
0x180: {  	[tilespmem:s24+$0x60] =	vst v2;
	v2 =	vld [tilespmem:s24+$0x70]  }
0x181: {  	[tilespmem:s24+$0xFFFFFF60] =	vst v4;
	v4 =	vld [tilespmem:s19+$0x70];
	v6 =	vmul.f32 v5, v9  }
0x182: {  	s24 =	sadd.s32 $0x200, s24;
	v5 =	vld [tilespmem:s19+$0xFFFFFF70]  }
0x183: {  	_ =	sdelay $0x1  }
0x184: {  	v1 =	vmul.f32 v3, v1  }
0x185: {  	[tilespmem:s10+$0xF0] =	vst v6;
	v2 =	vmul.f32 v4, v2  }
0x186: {  	[tilespmem:s10+$0xFFFFFFF0] =	vst v1;
	v0 =	vmul.f32 v5, v0  }
0x187: {  	[tilespmem:s10+$0x70] =	vst v2  }
0x188: {  	s30 =	simm.s32 $0x80;
	[tilespmem:s10+$0xFFFFFF70] =	vst v0  }
0x189: {  	[spmem:s4] =	stream.indirect.scatter.add.f32 [tilespmem:s9], [sflag:$0xA], $0x80, s30, s28, $0xb8;
	[tilespmem:$0x1E400] =	vst v63  }
.LBB2_10:
.Ltmp8:
0x18a: {  	(pc) =	sbr.rel @p0 .LBB2_14-.Ltmp8, $1  }
0x18b: {  	_ =	sdelay $0x3  }
0x18c: {  	_ =	swait.ge [sflag:s31], $0x2800  }
0x18d: {  	s10 =	smul.u32 $0x140, s22;
	[sflag:s31] =	ssyncset.done $0x0  }
0x18e: {  	[sflag:s31] =	ssyncadd.s32 $0xFFFFD800  }
0x18f: {  	s19 =	sadd.s32 s10, s16;
	_ =	swait.ge [sflag:s0], $0x2800  }
0x190: {  	s19 =	sshrl.u32 s19, $0x3;
	[sflag:s0] =	ssyncset.done $0x0  }
0x191: {  	s21 =	sadd.s32 s3, s19;
	[sflag:s0] =	ssyncadd.s32 $0xFFFFD800  }
0x192: {  	[tilespmem:s23], [sflag:$0x1] =	stream.linear.gather [hbm4b:s21+s5], $0x50, $0x38;
	[tilespmem:$0x1E400] =	vst v63  }
0x193: {  	s19 =	sadd.s32 s2, s19  }
0x194: {  	[tilespmem:s5], [sflag:$0x1] =	stream.linear.gather [hbm4b:s19+s5], $0x50, $0x38;
	[tilespmem:$0x1E400] =	vst v63  }
0x195: {  	_ =	swait.ge [sflag:s15], $0x2800  }
0x196: {  	[sflag:s15] =	ssyncset.done $0x0  }
0x197: {  	[sflag:s15] =	ssyncadd.s32 $0xFFFFD800  }
0x198: {  	_ =	swait.ge [sflag:s18], $0x50  }
0x199: {  	[sflag:s18] =	ssyncset.done $0x0  }
0x19a: {  	[sflag:s18] =	ssyncadd.s32 $0xFFFFFFB0  }
0x19b: {  	_ =	swait.ge [sflag:s18], $0x50  }
0x19c: {  	s10 =	sadd.s32 s20, s10;
	[sflag:s18] =	ssyncset.done $0x0  }
0x19d: {  	s30 =	simm.s32 $0x380;
	s10 =	sshll.u32 s10, $0x4;
	[sflag:s18] =	ssyncadd.s32 $0xFFFFFFB0  }
0x19e: {  	[tilespmem:s9], [sflag:$0x8] =	stream.indirect.gather [hbm4b:s7+s28], $0x80, s30, s28, $0xb8;
	[tilespmem:$0x1E400] =	vst v63  }
0x19f: {  	s10 =	sadd.s32 s6, s10  }
0x1a0: {  	[tilespmem:s11], [sflag:$0x6] =	stream.linear.gather [hbm4b:s10+s5], $0x2800, $0x38;
	[tilespmem:$0x1E400] =	vst v63  }
0x1a1: {  	s10 =	simm.s32 $0x5500  }
0x1a2: {  	s19 =	simm.s32 $0x500;
	v0 =	vld [tilespmem:s10+$0x80]  }
0x1a3: {  	v1 =	vld [tilespmem:s19+$0x80]  }
0x1a4: {  	v2 =	vld [tilespmem:s10+$0xFFFFFF80]  }
0x1a5: {  	v3 =	vld [tilespmem:s19+$0xFFFFFF80]  }
0x1a6: {  	v4 =	vld [tilespmem:s10+$0x0]  }
0x1a7: {  	v5 =	vld [tilespmem:s19+$0x0]  }
0x1a8: {  	v6 =	vld [tilespmem:s10+$0xFFFFFF00];
	v0 =	vmul.f32 v1, v0  }
0x1a9: {  	v1 =	vld [tilespmem:s19+$0xFFFFFF00]  }
0x1aa: {  	[tilespmem:s10+$0x80] =	vst v0;
	v0 =	vld [tilespmem:s10+$0x90]  }
0x1ab: {  	v2 =	vmul.f32 v3, v2;
	v3 =	vld [tilespmem:s19+$0x90]  }
0x1ac: {  	v7 =	vld [tilespmem:s10+$0xFFFFFF10]  }
0x1ad: {  	[tilespmem:s10+$0xFFFFFF80] =	vst v2;
	v2 =	vmul.f32 v5, v4;
	v4 =	vld [tilespmem:s10+$0xFFFFFF90]  }
0x1ae: {  	v5 =	vld [tilespmem:s19+$0xFFFFFF90];
	v1 =	vmul.f32 v1, v6  }
0x1af: {  	[tilespmem:s10+$0x0] =	vst v2;
	v2 =	vld [tilespmem:s10+$0x10]  }
0x1b0: {  	v6 =	vld [tilespmem:s19+$0x10];
	[tilespmem:s10+$0xFFFFFF00] =	vst v1;
	v0 =	vmul.f32 v3, v0  }
0x1b1: {  	v1 =	vld [tilespmem:s19+$0xFFFFFF10]  }
0x1b2: {  	[tilespmem:s10+$0x90] =	vst v0;
	v0 =	vld [tilespmem:s10+$0xA0]  }
0x1b3: {  	v3 =	vmul.f32 v5, v4;
	v4 =	vld [tilespmem:s19+$0xA0]  }
0x1b4: {  	v5 =	vld [tilespmem:s10+$0xFFFFFF20]  }
0x1b5: {  	[tilespmem:s10+$0xFFFFFF90] =	vst v3;
	v2 =	vmul.f32 v6, v2;
	v3 =	vld [tilespmem:s10+$0xFFFFFFA0]  }
0x1b6: {  	v6 =	vld [tilespmem:s19+$0xFFFFFFA0];
	v1 =	vmul.f32 v1, v7  }
0x1b7: {  	[tilespmem:s10+$0x10] =	vst v2;
	v2 =	vld [tilespmem:s10+$0x20]  }
0x1b8: {  	v7 =	vld [tilespmem:s19+$0x20];
	[tilespmem:s10+$0xFFFFFF10] =	vst v1;
	v0 =	vmul.f32 v4, v0  }
0x1b9: {  	v1 =	vld [tilespmem:s19+$0xFFFFFF20]  }
0x1ba: {  	[tilespmem:s10+$0xA0] =	vst v0;
	v0 =	vld [tilespmem:s10+$0xB0]  }
0x1bb: {  	v3 =	vmul.f32 v6, v3;
	v4 =	vld [tilespmem:s19+$0xB0]  }
0x1bc: {  	v6 =	vld [tilespmem:s10+$0xFFFFFF30]  }
0x1bd: {  	[tilespmem:s10+$0xFFFFFFA0] =	vst v3;
	v2 =	vmul.f32 v7, v2;
	v3 =	vld [tilespmem:s10+$0xFFFFFFB0]  }
0x1be: {  	v7 =	vld [tilespmem:s19+$0xFFFFFFB0];
	v1 =	vmul.f32 v1, v5  }
0x1bf: {  	[tilespmem:s10+$0x20] =	vst v2;
	v2 =	vld [tilespmem:s10+$0x30]  }
0x1c0: {  	v5 =	vld [tilespmem:s19+$0x30];
	[tilespmem:s10+$0xFFFFFF20] =	vst v1;
	v0 =	vmul.f32 v4, v0  }
0x1c1: {  	v1 =	vld [tilespmem:s19+$0xFFFFFF30]  }
0x1c2: {  	[tilespmem:s10+$0xB0] =	vst v0;
	v0 =	vld [tilespmem:s10+$0xC0]  }
0x1c3: {  	v3 =	vmul.f32 v7, v3;
	v4 =	vld [tilespmem:s19+$0xC0]  }
0x1c4: {  	v7 =	vld [tilespmem:s10+$0xFFFFFF40]  }
0x1c5: {  	[tilespmem:s10+$0xFFFFFFB0] =	vst v3;
	v2 =	vmul.f32 v5, v2;
	v3 =	vld [tilespmem:s10+$0xFFFFFFC0]  }
0x1c6: {  	v5 =	vld [tilespmem:s19+$0xFFFFFFC0];
	v1 =	vmul.f32 v1, v6  }
0x1c7: {  	[tilespmem:s10+$0x30] =	vst v2;
	v2 =	vld [tilespmem:s10+$0x40]  }
0x1c8: {  	v6 =	vld [tilespmem:s19+$0x40];
	[tilespmem:s10+$0xFFFFFF30] =	vst v1;
	v0 =	vmul.f32 v4, v0  }
0x1c9: {  	v1 =	vld [tilespmem:s19+$0xFFFFFF40]  }
0x1ca: {  	[tilespmem:s10+$0xC0] =	vst v0;
	v0 =	vld [tilespmem:s10+$0xD0]  }
0x1cb: {  	v3 =	vmul.f32 v5, v3;
	v4 =	vld [tilespmem:s19+$0xD0]  }
0x1cc: {  	v5 =	vld [tilespmem:s10+$0xFFFFFF50]  }
0x1cd: {  	[tilespmem:s10+$0xFFFFFFC0] =	vst v3;
	v2 =	vmul.f32 v6, v2;
	v3 =	vld [tilespmem:s10+$0xFFFFFFD0]  }
0x1ce: {  	v6 =	vld [tilespmem:s19+$0xFFFFFFD0];
	v1 =	vmul.f32 v1, v7  }
0x1cf: {  	[tilespmem:s10+$0x40] =	vst v2;
	v2 =	vld [tilespmem:s10+$0x50]  }
0x1d0: {  	v7 =	vld [tilespmem:s19+$0x50];
	[tilespmem:s10+$0xFFFFFF40] =	vst v1;
	v0 =	vmul.f32 v4, v0  }
0x1d1: {  	v1 =	vld [tilespmem:s19+$0xFFFFFF50]  }
0x1d2: {  	[tilespmem:s10+$0xD0] =	vst v0;
	v0 =	vld [tilespmem:s10+$0xE0]  }
0x1d3: {  	v3 =	vmul.f32 v6, v3;
	v4 =	vld [tilespmem:s19+$0xE0]  }
0x1d4: {  	v6 =	vld [tilespmem:s10+$0xFFFFFF60]  }
0x1d5: {  	[tilespmem:s10+$0xFFFFFFD0] =	vst v3;
	v2 =	vmul.f32 v7, v2;
	v3 =	vld [tilespmem:s10+$0xFFFFFFE0]  }
0x1d6: {  	v7 =	vld [tilespmem:s19+$0xFFFFFFE0];
	v1 =	vmul.f32 v1, v5  }
0x1d7: {  	[tilespmem:s10+$0x50] =	vst v2;
	v2 =	vld [tilespmem:s10+$0x60]  }
0x1d8: {  	v5 =	vld [tilespmem:s19+$0x60];
	[tilespmem:s10+$0xFFFFFF50] =	vst v1;
	v0 =	vmul.f32 v4, v0  }
0x1d9: {  	v4 =	vld [tilespmem:s19+$0xFFFFFF60]  }
0x1da: {  	v8 =	vld [tilespmem:s10+$0xF0];
	[tilespmem:s10+$0xE0] =	vst v0  }
0x1db: {  	v1 =	vmul.f32 v7, v3;
	v7 =	vld [tilespmem:s19+$0xF0]  }
0x1dc: {  	v0 =	vld [tilespmem:s10+$0xFFFFFF70]  }
0x1dd: {  	[tilespmem:s10+$0xFFFFFFE0] =	vst v1;
	v2 =	vmul.f32 v5, v2;
	v1 =	vld [tilespmem:s10+$0xFFFFFFF0]  }
0x1de: {  	v3 =	vld [tilespmem:s19+$0xFFFFFFF0];
	v4 =	vmul.f32 v4, v6  }
0x1df: {  	[tilespmem:s10+$0x60] =	vst v2;
	v2 =	vld [tilespmem:s10+$0x70]  }
0x1e0: {  	[tilespmem:s10+$0xFFFFFF60] =	vst v4;
	v4 =	vld [tilespmem:s19+$0x70];
	v6 =	vmul.f32 v7, v8  }
0x1e1: {  	s24 =	simm.s32 $0x5700;
	s21 =	simm.s32 $0x0;
	v5 =	vld [tilespmem:s19+$0xFFFFFF70]  }
.LBB2_12:
0x1e2: {  	v7 =	vld [tilespmem:s24+$0x80];
	[tilespmem:s10+$0xF0] =	vst v6;
	s19 =	sadd.s32 $0x200, s19  }
0x1e3: {  	s21 =	sadd.s32 $0x4, s21;
	v6 =	vld [tilespmem:s19+$0x80];
	v1 =	vmul.f32 v3, v1  }
0x1e4: {  	p0 =	slt.u32 s21, $0x4C;
	v3 =	vld [tilespmem:s19+$0xFFFFFF00]  }
0x1e5: {  	v8 =	vld [tilespmem:s24+$0xFFFFFF80];
	[tilespmem:s10+$0xFFFFFFF0] =	vst v1;
	v1 =	vmul.f32 v4, v2  }
0x1e6: {  	v2 =	vld [tilespmem:s19+$0xFFFFFF80];
	v0 =	vmul.f32 v5, v0  }
0x1e7: {  	v4 =	vld [tilespmem:s24+$0x0];
	[tilespmem:s10+$0x70] =	vst v1  }
0x1e8: {  	v1 =	vld [tilespmem:s19+$0x0];
	v5 =	vmul.f32 v6, v7;
	[tilespmem:s10+$0xFFFFFF70] =	vst v0;
	s10 =	smov.u32 s24  }
0x1e9: {  	v0 =	vld [tilespmem:s24+$0xFFFFFF00]  }
0x1ea: {  	[tilespmem:s24+$0x80] =	vst v5;
	v5 =	vld [tilespmem:s24+$0x90]  }
0x1eb: {  	v2 =	vmul.f32 v2, v8;
	v6 =	vld [tilespmem:s19+$0x90]  }
0x1ec: {  	v7 =	vld [tilespmem:s24+$0xFFFFFF10]  }
0x1ed: {  	[tilespmem:s24+$0xFFFFFF80] =	vst v2;
	v2 =	vld [tilespmem:s24+$0xFFFFFF90];
	v1 =	vmul.f32 v1, v4  }
0x1ee: {  	v0 =	vmul.f32 v3, v0;
	v3 =	vld [tilespmem:s19+$0xFFFFFF90]  }
0x1ef: {  	[tilespmem:s24+$0x0] =	vst v1;
	v1 =	vld [tilespmem:s24+$0x10]  }
0x1f0: {  	[tilespmem:s24+$0xFFFFFF00] =	vst v0;
	v0 =	vld [tilespmem:s19+$0x10];
	v4 =	vmul.f32 v6, v5  }
0x1f1: {  	v5 =	vld [tilespmem:s19+$0xFFFFFF10]  }
0x1f2: {  	[tilespmem:s24+$0x90] =	vst v4;
	v4 =	vld [tilespmem:s24+$0xA0]  }
0x1f3: {  	v2 =	vmul.f32 v3, v2;
	v3 =	vld [tilespmem:s19+$0xA0]  }
0x1f4: {  	v6 =	vld [tilespmem:s24+$0xFFFFFF20]  }
0x1f5: {  	[tilespmem:s24+$0xFFFFFF90] =	vst v2;
	v2 =	vld [tilespmem:s24+$0xFFFFFFA0];
	v0 =	vmul.f32 v0, v1  }
0x1f6: {  	v1 =	vmul.f32 v5, v7;
	v5 =	vld [tilespmem:s19+$0xFFFFFFA0]  }
0x1f7: {  	[tilespmem:s24+$0x10] =	vst v0;
	v0 =	vld [tilespmem:s24+$0x20]  }
0x1f8: {  	[tilespmem:s24+$0xFFFFFF10] =	vst v1;
	v1 =	vld [tilespmem:s19+$0x20];
	v3 =	vmul.f32 v3, v4  }
0x1f9: {  	v4 =	vld [tilespmem:s19+$0xFFFFFF20]  }
0x1fa: {  	[tilespmem:s24+$0xA0] =	vst v3;
	v3 =	vld [tilespmem:s24+$0xB0]  }
0x1fb: {  	v2 =	vmul.f32 v5, v2;
	v5 =	vld [tilespmem:s19+$0xB0]  }
0x1fc: {  	v7 =	vld [tilespmem:s24+$0xFFFFFF30]  }
0x1fd: {  	[tilespmem:s24+$0xFFFFFFA0] =	vst v2;
	v2 =	vld [tilespmem:s24+$0xFFFFFFB0];
	v0 =	vmul.f32 v1, v0  }
0x1fe: {  	v1 =	vmul.f32 v4, v6;
	v4 =	vld [tilespmem:s19+$0xFFFFFFB0]  }
0x1ff: {  	[tilespmem:s24+$0x20] =	vst v0;
	v0 =	vld [tilespmem:s24+$0x30]  }
0x200: {  	[tilespmem:s24+$0xFFFFFF20] =	vst v1;
	v1 =	vld [tilespmem:s19+$0x30];
	v3 =	vmul.f32 v5, v3  }
0x201: {  	v5 =	vld [tilespmem:s19+$0xFFFFFF30]  }
0x202: {  	[tilespmem:s24+$0xB0] =	vst v3;
	v3 =	vld [tilespmem:s24+$0xC0]  }
0x203: {  	v2 =	vmul.f32 v4, v2;
	v4 =	vld [tilespmem:s19+$0xC0]  }
0x204: {  	v6 =	vld [tilespmem:s24+$0xFFFFFF40]  }
0x205: {  	[tilespmem:s24+$0xFFFFFFB0] =	vst v2;
	v2 =	vld [tilespmem:s24+$0xFFFFFFC0];
	v0 =	vmul.f32 v1, v0  }
0x206: {  	v1 =	vmul.f32 v5, v7;
	v5 =	vld [tilespmem:s19+$0xFFFFFFC0]  }
0x207: {  	[tilespmem:s24+$0x30] =	vst v0;
	v0 =	vld [tilespmem:s24+$0x40]  }
0x208: {  	[tilespmem:s24+$0xFFFFFF30] =	vst v1;
	v1 =	vld [tilespmem:s19+$0x40];
	v3 =	vmul.f32 v4, v3  }
0x209: {  	v4 =	vld [tilespmem:s19+$0xFFFFFF40]  }
0x20a: {  	[tilespmem:s24+$0xC0] =	vst v3;
	v3 =	vld [tilespmem:s24+$0xD0]  }
0x20b: {  	v2 =	vmul.f32 v5, v2;
	v5 =	vld [tilespmem:s19+$0xD0]  }
0x20c: {  	v7 =	vld [tilespmem:s24+$0xFFFFFF50]  }
0x20d: {  	[tilespmem:s24+$0xFFFFFFC0] =	vst v2;
	v2 =	vld [tilespmem:s24+$0xFFFFFFD0];
	v0 =	vmul.f32 v1, v0  }
0x20e: {  	v1 =	vmul.f32 v4, v6;
	v4 =	vld [tilespmem:s19+$0xFFFFFFD0]  }
0x20f: {  	[tilespmem:s24+$0x40] =	vst v0;
	v0 =	vld [tilespmem:s24+$0x50]  }
0x210: {  	[tilespmem:s24+$0xFFFFFF40] =	vst v1;
	v1 =	vld [tilespmem:s19+$0x50];
	v3 =	vmul.f32 v5, v3  }
0x211: {  	v5 =	vld [tilespmem:s19+$0xFFFFFF50]  }
0x212: {  	[tilespmem:s24+$0xD0] =	vst v3;
	v3 =	vld [tilespmem:s24+$0xE0]  }
0x213: {  	v2 =	vmul.f32 v4, v2;
	v4 =	vld [tilespmem:s19+$0xE0]  }
0x214: {  	v6 =	vld [tilespmem:s24+$0xFFFFFF60]  }
0x215: {  	[tilespmem:s24+$0xFFFFFFD0] =	vst v2;
	v2 =	vld [tilespmem:s24+$0xFFFFFFE0];
	v0 =	vmul.f32 v1, v0  }
0x216: {  	v1 =	vmul.f32 v5, v7;
	v5 =	vld [tilespmem:s19+$0xFFFFFFE0]  }
0x217: {  	[tilespmem:s24+$0x50] =	vst v0;
	v7 =	vld [tilespmem:s24+$0x60]  }
0x218: {  	[tilespmem:s24+$0xFFFFFF50] =	vst v1;
	v8 =	vld [tilespmem:s19+$0x60];
	v0 =	vmul.f32 v4, v3  }
0x219: {  	v3 =	vld [tilespmem:s19+$0xFFFFFF60]  }
0x21a: {  	[tilespmem:s24+$0xE0] =	vst v0;
	v9 =	vld [tilespmem:s24+$0xF0]  }
0x21b: {  	v1 =	vmul.f32 v5, v2;
	v5 =	vld [tilespmem:s19+$0xF0]  }
0x21c: {  	v0 =	vld [tilespmem:s24+$0xFFFFFF70]  }
.Ltmp9:
0x21d: {  	[tilespmem:s24+$0xFFFFFFE0] =	vst v1;
	v1 =	vld [tilespmem:s24+$0xFFFFFFF0];
	v2 =	vmul.f32 v8, v7;
	(pc) =	sbr.rel @p0 .LBB2_12-.Ltmp9, $4  }
0x21e: {  	v4 =	vmul.f32 v3, v6;
	v3 =	vld [tilespmem:s19+$0xFFFFFFF0]  }
0x21f: {  	[tilespmem:s24+$0x60] =	vst v2;
	v2 =	vld [tilespmem:s24+$0x70]  }
0x220: {  	[tilespmem:s24+$0xFFFFFF60] =	vst v4;
	v4 =	vld [tilespmem:s19+$0x70];
	v6 =	vmul.f32 v5, v9  }
0x221: {  	s24 =	sadd.s32 $0x200, s24;
	v5 =	vld [tilespmem:s19+$0xFFFFFF70]  }
0x222: {  	_ =	sdelay $0x1  }
0x223: {  	v1 =	vmul.f32 v3, v1  }
0x224: {  	[tilespmem:s10+$0xF0] =	vst v6;
	v2 =	vmul.f32 v4, v2  }
0x225: {  	[tilespmem:s10+$0xFFFFFFF0] =	vst v1;
	v0 =	vmul.f32 v5, v0  }
0x226: {  	[tilespmem:s10+$0x70] =	vst v2  }
0x227: {  	s30 =	simm.s32 $0x100;
	[tilespmem:s10+$0xFFFFFF70] =	vst v0  }
0x228: {  	[spmem:s4] =	stream.indirect.scatter.add.f32 [tilespmem:s29], [sflag:$0x9], $0x80, s30, s28, $0xb8;
	[tilespmem:$0x1E400] =	vst v63  }
.LBB2_14:
0x229: {  	p0 =	sgt.u32 s22, $0x1E  }
.Ltmp10:
0x22a: {  	_ = 	snop;
	(pc) =	sbr.rel @p0 .LBB2_18-.Ltmp10, $1  }
0x22b: {  	_ =	sdelay $0x3  }
0x22c: {  	_ =	swait.ge [sflag:s12], $0x2800;
	p0 =	seq.s32 s22, $0x1E  }
0x22d: {  	[sflag:s12] =	ssyncset.done $0x0;
	s10 =	smul.u32 @!p0 $0x140, s22  }
0x22e: {  	[sflag:s12] =	ssyncadd.s32 $0xFFFFD800  }
0x22f: {  	_ =	swait.ge [sflag:s13], $0x2800;
	s19 =	sadd.s32 @!p0 s10, s17  }
0x230: {  	s24 =	simm.s32 @!p0 $0x0;
	[sflag:s13] =	ssyncset.done $0x0;
	s19 =	sshrl.u32 @!p0 s19, $0x3  }
0x231: {  	s25 =	simm.s32 @!p0 $0x280;
	[sflag:s13] =	ssyncadd.s32 $0xFFFFD800;
	s21 =	sadd.s32 @!p0 s3, s19  }
0x232: {  	[tilespmem:s25], [sflag:$0x2] =	stream.linear.gather @!p0 [hbm4b:s21+s24], $0x50, $0x38;
	[tilespmem:$0x1E400] =	vst v63  }
0x233: {  	s19 =	sadd.s32 @!p0 s2, s19;
	s21 =	simm.s32 @!p0 $0x80  }
0x234: {  	[tilespmem:s21], [sflag:$0x2] =	stream.linear.gather @!p0 [hbm4b:s19+s24], $0x50, $0x38;
	[tilespmem:$0x1E400] =	vst v63  }
0x235: {  	_ =	swait.ge [sflag:s14], $0x2800  }
0x236: {  	[sflag:s14] =	ssyncset.done $0x0  }
0x237: {  	[sflag:s14] =	ssyncadd.s32 $0xFFFFD800  }
0x238: {  	_ =	swait.ge [sflag:s26], $0x50  }
0x239: {  	[sflag:s26] =	ssyncset.done $0x0  }
0x23a: {  	[sflag:s26] =	ssyncadd.s32 $0xFFFFFFB0  }
0x23b: {  	s10 =	simm.s32 @p0 $0x2580;
	_ =	swait.ge [sflag:s26], $0x50  }
0x23c: {  	s10 =	sadd.s32 s10, s16;
	[sflag:s26] =	ssyncset.done $0x0  }
0x23d: {  	s10 =	sshll.u32 s10, $0x4;
	[sflag:s26] =	ssyncadd.s32 $0xFFFFFFB0  }
0x23e: {  	[tilespmem:s29], [sflag:$0x7] =	stream.indirect.gather [hbm4b:s7+s28], $0x80, s23, s28, $0xb8;
	[tilespmem:$0x1E400] =	vst v63  }
0x23f: {  	s30 =	simm.s32 $0x400;
	s10 =	sadd.s32 s6, s10  }
0x240: {  	[tilespmem:s30], [sflag:$0x5] =	stream.linear.gather [hbm4b:s10+s5], $0x2800, $0x38;
	[tilespmem:$0x1E400] =	vst v63  }
0x241: {  	s10 =	simm.s32 $0x7D00  }
0x242: {  	s19 =	simm.s32 $0x2D00;
	v0 =	vld [tilespmem:s10+$0x80]  }
0x243: {  	v1 =	vld [tilespmem:s19+$0x80]  }
0x244: {  	v2 =	vld [tilespmem:s10+$0xFFFFFF80]  }
0x245: {  	v3 =	vld [tilespmem:s19+$0xFFFFFF80]  }
0x246: {  	v4 =	vld [tilespmem:s10+$0x0]  }
0x247: {  	v5 =	vld [tilespmem:s19+$0x0]  }
0x248: {  	v6 =	vld [tilespmem:s10+$0xFFFFFF00];
	v0 =	vmul.f32 v1, v0  }
0x249: {  	v1 =	vld [tilespmem:s19+$0xFFFFFF00]  }
0x24a: {  	[tilespmem:s10+$0x80] =	vst v0;
	v0 =	vld [tilespmem:s10+$0x90]  }
0x24b: {  	v2 =	vmul.f32 v3, v2;
	v3 =	vld [tilespmem:s19+$0x90]  }
0x24c: {  	v7 =	vld [tilespmem:s10+$0xFFFFFF10]  }
0x24d: {  	[tilespmem:s10+$0xFFFFFF80] =	vst v2;
	v2 =	vmul.f32 v5, v4;
	v4 =	vld [tilespmem:s10+$0xFFFFFF90]  }
0x24e: {  	v5 =	vld [tilespmem:s19+$0xFFFFFF90];
	v1 =	vmul.f32 v1, v6  }
0x24f: {  	[tilespmem:s10+$0x0] =	vst v2;
	v2 =	vld [tilespmem:s10+$0x10]  }
0x250: {  	v6 =	vld [tilespmem:s19+$0x10];
	[tilespmem:s10+$0xFFFFFF00] =	vst v1;
	v0 =	vmul.f32 v3, v0  }
0x251: {  	v1 =	vld [tilespmem:s19+$0xFFFFFF10]  }
0x252: {  	[tilespmem:s10+$0x90] =	vst v0;
	v0 =	vld [tilespmem:s10+$0xA0]  }
0x253: {  	v3 =	vmul.f32 v5, v4;
	v4 =	vld [tilespmem:s19+$0xA0]  }
0x254: {  	v5 =	vld [tilespmem:s10+$0xFFFFFF20]  }
0x255: {  	[tilespmem:s10+$0xFFFFFF90] =	vst v3;
	v2 =	vmul.f32 v6, v2;
	v3 =	vld [tilespmem:s10+$0xFFFFFFA0]  }
0x256: {  	v6 =	vld [tilespmem:s19+$0xFFFFFFA0];
	v1 =	vmul.f32 v1, v7  }
0x257: {  	[tilespmem:s10+$0x10] =	vst v2;
	v2 =	vld [tilespmem:s10+$0x20]  }
0x258: {  	v7 =	vld [tilespmem:s19+$0x20];
	[tilespmem:s10+$0xFFFFFF10] =	vst v1;
	v0 =	vmul.f32 v4, v0  }
0x259: {  	v1 =	vld [tilespmem:s19+$0xFFFFFF20]  }
0x25a: {  	[tilespmem:s10+$0xA0] =	vst v0;
	v0 =	vld [tilespmem:s10+$0xB0]  }
0x25b: {  	v3 =	vmul.f32 v6, v3;
	v4 =	vld [tilespmem:s19+$0xB0]  }
0x25c: {  	v6 =	vld [tilespmem:s10+$0xFFFFFF30]  }
0x25d: {  	[tilespmem:s10+$0xFFFFFFA0] =	vst v3;
	v2 =	vmul.f32 v7, v2;
	v3 =	vld [tilespmem:s10+$0xFFFFFFB0]  }
0x25e: {  	v7 =	vld [tilespmem:s19+$0xFFFFFFB0];
	v1 =	vmul.f32 v1, v5  }
0x25f: {  	[tilespmem:s10+$0x20] =	vst v2;
	v2 =	vld [tilespmem:s10+$0x30]  }
0x260: {  	v5 =	vld [tilespmem:s19+$0x30];
	[tilespmem:s10+$0xFFFFFF20] =	vst v1;
	v0 =	vmul.f32 v4, v0  }
0x261: {  	v1 =	vld [tilespmem:s19+$0xFFFFFF30]  }
0x262: {  	[tilespmem:s10+$0xB0] =	vst v0;
	v0 =	vld [tilespmem:s10+$0xC0]  }
0x263: {  	v3 =	vmul.f32 v7, v3;
	v4 =	vld [tilespmem:s19+$0xC0]  }
0x264: {  	v7 =	vld [tilespmem:s10+$0xFFFFFF40]  }
0x265: {  	[tilespmem:s10+$0xFFFFFFB0] =	vst v3;
	v2 =	vmul.f32 v5, v2;
	v3 =	vld [tilespmem:s10+$0xFFFFFFC0]  }
0x266: {  	v5 =	vld [tilespmem:s19+$0xFFFFFFC0];
	v1 =	vmul.f32 v1, v6  }
0x267: {  	[tilespmem:s10+$0x30] =	vst v2;
	v2 =	vld [tilespmem:s10+$0x40]  }
0x268: {  	v6 =	vld [tilespmem:s19+$0x40];
	[tilespmem:s10+$0xFFFFFF30] =	vst v1;
	v0 =	vmul.f32 v4, v0  }
0x269: {  	v1 =	vld [tilespmem:s19+$0xFFFFFF40]  }
0x26a: {  	[tilespmem:s10+$0xC0] =	vst v0;
	v0 =	vld [tilespmem:s10+$0xD0]  }
0x26b: {  	v3 =	vmul.f32 v5, v3;
	v4 =	vld [tilespmem:s19+$0xD0]  }
0x26c: {  	v5 =	vld [tilespmem:s10+$0xFFFFFF50]  }
0x26d: {  	[tilespmem:s10+$0xFFFFFFC0] =	vst v3;
	v2 =	vmul.f32 v6, v2;
	v3 =	vld [tilespmem:s10+$0xFFFFFFD0]  }
0x26e: {  	v6 =	vld [tilespmem:s19+$0xFFFFFFD0];
	v1 =	vmul.f32 v1, v7  }
0x26f: {  	[tilespmem:s10+$0x40] =	vst v2;
	v2 =	vld [tilespmem:s10+$0x50]  }
0x270: {  	v7 =	vld [tilespmem:s19+$0x50];
	[tilespmem:s10+$0xFFFFFF40] =	vst v1;
	v0 =	vmul.f32 v4, v0  }
0x271: {  	v1 =	vld [tilespmem:s19+$0xFFFFFF50]  }
0x272: {  	[tilespmem:s10+$0xD0] =	vst v0;
	v0 =	vld [tilespmem:s10+$0xE0]  }
0x273: {  	v3 =	vmul.f32 v6, v3;
	v4 =	vld [tilespmem:s19+$0xE0]  }
0x274: {  	v6 =	vld [tilespmem:s10+$0xFFFFFF60]  }
0x275: {  	[tilespmem:s10+$0xFFFFFFD0] =	vst v3;
	v2 =	vmul.f32 v7, v2;
	v3 =	vld [tilespmem:s10+$0xFFFFFFE0]  }
0x276: {  	v7 =	vld [tilespmem:s19+$0xFFFFFFE0];
	v1 =	vmul.f32 v1, v5  }
0x277: {  	[tilespmem:s10+$0x50] =	vst v2;
	v2 =	vld [tilespmem:s10+$0x60]  }
0x278: {  	v5 =	vld [tilespmem:s19+$0x60];
	[tilespmem:s10+$0xFFFFFF50] =	vst v1;
	v0 =	vmul.f32 v4, v0  }
0x279: {  	v4 =	vld [tilespmem:s19+$0xFFFFFF60]  }
0x27a: {  	v8 =	vld [tilespmem:s10+$0xF0];
	[tilespmem:s10+$0xE0] =	vst v0  }
0x27b: {  	v1 =	vmul.f32 v7, v3;
	v7 =	vld [tilespmem:s19+$0xF0]  }
0x27c: {  	v0 =	vld [tilespmem:s10+$0xFFFFFF70]  }
0x27d: {  	[tilespmem:s10+$0xFFFFFFE0] =	vst v1;
	v2 =	vmul.f32 v5, v2;
	v1 =	vld [tilespmem:s10+$0xFFFFFFF0]  }
0x27e: {  	v3 =	vld [tilespmem:s19+$0xFFFFFFF0];
	v4 =	vmul.f32 v4, v6  }
0x27f: {  	[tilespmem:s10+$0x60] =	vst v2;
	v2 =	vld [tilespmem:s10+$0x70]  }
0x280: {  	[tilespmem:s10+$0xFFFFFF60] =	vst v4;
	v4 =	vld [tilespmem:s19+$0x70];
	v6 =	vmul.f32 v7, v8  }
0x281: {  	s21 =	simm.s32 $0x0;
	s24 =	simm.s32 $0x7F00;
	v5 =	vld [tilespmem:s19+$0xFFFFFF70]  }
.LBB2_16:
0x282: {  	v7 =	vld [tilespmem:s24+$0x80];
	[tilespmem:s10+$0xF0] =	vst v6;
	s19 =	sadd.s32 $0x200, s19  }
0x283: {  	s21 =	sadd.s32 $0x4, s21;
	v6 =	vld [tilespmem:s19+$0x80];
	v1 =	vmul.f32 v3, v1  }
0x284: {  	p0 =	slt.u32 s21, $0x4C;
	v3 =	vld [tilespmem:s19+$0xFFFFFF00]  }
0x285: {  	v8 =	vld [tilespmem:s24+$0xFFFFFF80];
	[tilespmem:s10+$0xFFFFFFF0] =	vst v1;
	v1 =	vmul.f32 v4, v2  }
0x286: {  	v2 =	vld [tilespmem:s19+$0xFFFFFF80];
	v0 =	vmul.f32 v5, v0  }
0x287: {  	v4 =	vld [tilespmem:s24+$0x0];
	[tilespmem:s10+$0x70] =	vst v1  }
0x288: {  	v1 =	vld [tilespmem:s19+$0x0];
	v5 =	vmul.f32 v6, v7;
	[tilespmem:s10+$0xFFFFFF70] =	vst v0;
	s10 =	smov.u32 s24  }
0x289: {  	v0 =	vld [tilespmem:s24+$0xFFFFFF00]  }
0x28a: {  	[tilespmem:s24+$0x80] =	vst v5;
	v5 =	vld [tilespmem:s24+$0x90]  }
0x28b: {  	v2 =	vmul.f32 v2, v8;
	v6 =	vld [tilespmem:s19+$0x90]  }
0x28c: {  	v7 =	vld [tilespmem:s24+$0xFFFFFF10]  }
0x28d: {  	[tilespmem:s24+$0xFFFFFF80] =	vst v2;
	v2 =	vld [tilespmem:s24+$0xFFFFFF90];
	v1 =	vmul.f32 v1, v4  }
0x28e: {  	v0 =	vmul.f32 v3, v0;
	v3 =	vld [tilespmem:s19+$0xFFFFFF90]  }
0x28f: {  	[tilespmem:s24+$0x0] =	vst v1;
	v1 =	vld [tilespmem:s24+$0x10]  }
0x290: {  	[tilespmem:s24+$0xFFFFFF00] =	vst v0;
	v0 =	vld [tilespmem:s19+$0x10];
	v4 =	vmul.f32 v6, v5  }
0x291: {  	v5 =	vld [tilespmem:s19+$0xFFFFFF10]  }
0x292: {  	[tilespmem:s24+$0x90] =	vst v4;
	v4 =	vld [tilespmem:s24+$0xA0]  }
0x293: {  	v2 =	vmul.f32 v3, v2;
	v3 =	vld [tilespmem:s19+$0xA0]  }
0x294: {  	v6 =	vld [tilespmem:s24+$0xFFFFFF20]  }
0x295: {  	[tilespmem:s24+$0xFFFFFF90] =	vst v2;
	v2 =	vld [tilespmem:s24+$0xFFFFFFA0];
	v0 =	vmul.f32 v0, v1  }
0x296: {  	v1 =	vmul.f32 v5, v7;
	v5 =	vld [tilespmem:s19+$0xFFFFFFA0]  }
0x297: {  	[tilespmem:s24+$0x10] =	vst v0;
	v0 =	vld [tilespmem:s24+$0x20]  }
0x298: {  	[tilespmem:s24+$0xFFFFFF10] =	vst v1;
	v1 =	vld [tilespmem:s19+$0x20];
	v3 =	vmul.f32 v3, v4  }
0x299: {  	v4 =	vld [tilespmem:s19+$0xFFFFFF20]  }
0x29a: {  	[tilespmem:s24+$0xA0] =	vst v3;
	v3 =	vld [tilespmem:s24+$0xB0]  }
0x29b: {  	v2 =	vmul.f32 v5, v2;
	v5 =	vld [tilespmem:s19+$0xB0]  }
0x29c: {  	v7 =	vld [tilespmem:s24+$0xFFFFFF30]  }
0x29d: {  	[tilespmem:s24+$0xFFFFFFA0] =	vst v2;
	v2 =	vld [tilespmem:s24+$0xFFFFFFB0];
	v0 =	vmul.f32 v1, v0  }
0x29e: {  	v1 =	vmul.f32 v4, v6;
	v4 =	vld [tilespmem:s19+$0xFFFFFFB0]  }
0x29f: {  	[tilespmem:s24+$0x20] =	vst v0;
	v0 =	vld [tilespmem:s24+$0x30]  }
0x2a0: {  	[tilespmem:s24+$0xFFFFFF20] =	vst v1;
	v1 =	vld [tilespmem:s19+$0x30];
	v3 =	vmul.f32 v5, v3  }
0x2a1: {  	v5 =	vld [tilespmem:s19+$0xFFFFFF30]  }
0x2a2: {  	[tilespmem:s24+$0xB0] =	vst v3;
	v3 =	vld [tilespmem:s24+$0xC0]  }
0x2a3: {  	v2 =	vmul.f32 v4, v2;
	v4 =	vld [tilespmem:s19+$0xC0]  }
0x2a4: {  	v6 =	vld [tilespmem:s24+$0xFFFFFF40]  }
0x2a5: {  	[tilespmem:s24+$0xFFFFFFB0] =	vst v2;
	v2 =	vld [tilespmem:s24+$0xFFFFFFC0];
	v0 =	vmul.f32 v1, v0  }
0x2a6: {  	v1 =	vmul.f32 v5, v7;
	v5 =	vld [tilespmem:s19+$0xFFFFFFC0]  }
0x2a7: {  	[tilespmem:s24+$0x30] =	vst v0;
	v0 =	vld [tilespmem:s24+$0x40]  }
0x2a8: {  	[tilespmem:s24+$0xFFFFFF30] =	vst v1;
	v1 =	vld [tilespmem:s19+$0x40];
	v3 =	vmul.f32 v4, v3  }
0x2a9: {  	v4 =	vld [tilespmem:s19+$0xFFFFFF40]  }
0x2aa: {  	[tilespmem:s24+$0xC0] =	vst v3;
	v3 =	vld [tilespmem:s24+$0xD0]  }
0x2ab: {  	v2 =	vmul.f32 v5, v2;
	v5 =	vld [tilespmem:s19+$0xD0]  }
0x2ac: {  	v7 =	vld [tilespmem:s24+$0xFFFFFF50]  }
0x2ad: {  	[tilespmem:s24+$0xFFFFFFC0] =	vst v2;
	v2 =	vld [tilespmem:s24+$0xFFFFFFD0];
	v0 =	vmul.f32 v1, v0  }
0x2ae: {  	v1 =	vmul.f32 v4, v6;
	v4 =	vld [tilespmem:s19+$0xFFFFFFD0]  }
0x2af: {  	[tilespmem:s24+$0x40] =	vst v0;
	v0 =	vld [tilespmem:s24+$0x50]  }
0x2b0: {  	[tilespmem:s24+$0xFFFFFF40] =	vst v1;
	v1 =	vld [tilespmem:s19+$0x50];
	v3 =	vmul.f32 v5, v3  }
0x2b1: {  	v5 =	vld [tilespmem:s19+$0xFFFFFF50]  }
0x2b2: {  	[tilespmem:s24+$0xD0] =	vst v3;
	v3 =	vld [tilespmem:s24+$0xE0]  }
0x2b3: {  	v2 =	vmul.f32 v4, v2;
	v4 =	vld [tilespmem:s19+$0xE0]  }
0x2b4: {  	v6 =	vld [tilespmem:s24+$0xFFFFFF60]  }
0x2b5: {  	[tilespmem:s24+$0xFFFFFFD0] =	vst v2;
	v2 =	vld [tilespmem:s24+$0xFFFFFFE0];
	v0 =	vmul.f32 v1, v0  }
0x2b6: {  	v1 =	vmul.f32 v5, v7;
	v5 =	vld [tilespmem:s19+$0xFFFFFFE0]  }
0x2b7: {  	[tilespmem:s24+$0x50] =	vst v0;
	v7 =	vld [tilespmem:s24+$0x60]  }
0x2b8: {  	[tilespmem:s24+$0xFFFFFF50] =	vst v1;
	v8 =	vld [tilespmem:s19+$0x60];
	v0 =	vmul.f32 v4, v3  }
0x2b9: {  	v3 =	vld [tilespmem:s19+$0xFFFFFF60]  }
0x2ba: {  	[tilespmem:s24+$0xE0] =	vst v0;
	v9 =	vld [tilespmem:s24+$0xF0]  }
0x2bb: {  	v1 =	vmul.f32 v5, v2;
	v5 =	vld [tilespmem:s19+$0xF0]  }
0x2bc: {  	v0 =	vld [tilespmem:s24+$0xFFFFFF70]  }
.Ltmp11:
0x2bd: {  	[tilespmem:s24+$0xFFFFFFE0] =	vst v1;
	v1 =	vld [tilespmem:s24+$0xFFFFFFF0];
	v2 =	vmul.f32 v8, v7;
	(pc) =	sbr.rel @p0 .LBB2_16-.Ltmp11, $4  }
0x2be: {  	v4 =	vmul.f32 v3, v6;
	v3 =	vld [tilespmem:s19+$0xFFFFFFF0]  }
0x2bf: {  	[tilespmem:s24+$0x60] =	vst v2;
	v2 =	vld [tilespmem:s24+$0x70]  }
0x2c0: {  	[tilespmem:s24+$0xFFFFFF60] =	vst v4;
	v4 =	vld [tilespmem:s19+$0x70];
	v6 =	vmul.f32 v5, v9  }
0x2c1: {  	s24 =	sadd.s32 $0x200, s24;
	v5 =	vld [tilespmem:s19+$0xFFFFFF70]  }
0x2c2: {  	_ =	sdelay $0x1  }
0x2c3: {  	v1 =	vmul.f32 v3, v1  }
.Ltmp12:
0x2c4: {  	[tilespmem:s10+$0xF0] =	vst v6;
	v2 =	vmul.f32 v4, v2;
	(pc) =	sbr.rel .LBB2_18-.Ltmp12, $4  }
0x2c5: {  	[tilespmem:s10+$0xFFFFFFF0] =	vst v1;
	v0 =	vmul.f32 v5, v0  }
0x2c6: {  	[tilespmem:s10+$0x70] =	vst v2  }
0x2c7: {  	s30 =	simm.s32 $0x180;
	[tilespmem:s10+$0xFFFFFF70] =	vst v0  }
0x2c8: {  	[spmem:s4] =	stream.indirect.scatter.add.f32 [tilespmem:s9], [sflag:$0xA], $0x80, s30, s28, $0xb8;
	[tilespmem:$0x1E400] =	vst v63  }
.LBB2_20:
0x2c9: {  	_ =	sfence.sel $0x180000  }
0x2ca: {  	[bflag:$0x0] =	sbarrier.arrive $0xFFFF  }
0x2cb: {  	_ =	strace $0x90000047  }
0x2cc: {  	s0 =	stileid.u32;
	[bflag:$0x2] =	sbarrier.arrive $0xFFFF  }
0x2cd: {  	p0 =	sne.s32 s0, $0x0;
	s0 =	rddreg [dreg:$0x4]  }
0x2ce: {  	s0 =	sadd.s32 @!p0 $0x100000, s0  }
0x2cf: {  	[sflag:s0] =	ssyncadd.tile.s32 @!p0 $0x1;
	_ =	shalt  }
.Lfunc_end2:
_tile_overlayer_lowered:
.L_overlay_start_2:
0x2d0: {  	(tag) =	ssettag $0x2  }
0x2d1: {  	s0 =	rddreg [dreg:$0x0];
	s2 =	stileid.u32  }
0x2d2: {  	s1 =	rddreg [dreg:$0x1];
	p0 =	sne.s32 s2, $0x0  }
0x2d3: {  	s3 =	rddreg [dreg:$0x2];
	[bflag:$0x3] =	sbarrier.arrive $0xFFFF;
	s2 =	simm.s32 @!p0 $0x1C0B  }
0x2d4: {  	[timem:s3], [sflag:s2] =	dma.local @!p0 [hbm:s0], s1  }
0x2d5: {  	s0 =	simm.s32 @!p0 $0xB  }
0x2d6: {  	_ =	swait.ge @!p0 [sflag:s0], s1  }
0x2d7: {  	s1 =	ssub.s32 @!p0 $0x0, s1;
	[sflag:s0] =	ssyncset.done @!p0 $0x0  }
0x2d8: {  	[sflag:s0] =	ssyncadd.s32 @!p0 s1  }
0x2d9: {  	[bflag:$0x3] =	sbarrier.arrive $0xFFFF  }
0x2da: {  	_ =	shalt  }

</sc_bundles>
